<compile_context>
chip_gen: v7x
topology: tpu7x:2x2x1
jax: 0.10.2.dev20260603
libtpu: 0.0.44.dev20260713+nightly
codegen_flags: <defaults>
</compile_context>

<pallas_src>
import jax
import jax.numpy as jnp
from jax import lax
from jax.experimental import pallas as pl

_SCORE_THRESH = 0.25
_NMS_THRESH = 0.45
_DETECTIONS = 300
_K_PRE = 1000
_MAX_SIZE = 4096.0
_IM = 640.0
_NC = 80
_N0, _N1, _N2 = 19200, 4800, 1200
_NB = _N0 + _N1 + _N2
_KPAD = 1024


def _score_kernel(p_ref, out_ref, mb_ref):
    s = jax.nn.sigmoid(p_ref[0][:, 4:85])
    obj = s[:, 0:1]
    cls = s[:, 1:81]
    gate = (obj > _SCORE_THRESH).astype(jnp.float32)
    sc = (obj * cls) * gate
    sm = jnp.where(sc > _SCORE_THRESH, sc, -1.0)
    out_ref[0] = sm
    mb_ref[0] = jnp.max(sm, axis=1, keepdims=True)


def _score_call(p, chunk):
    B, N, _ = p.shape
    return pl.pallas_call(
        _score_kernel,
        grid=(B, N // chunk),
        in_specs=[pl.BlockSpec((1, chunk, 85), lambda i, j: (i, j, 0))],
        out_specs=[
            pl.BlockSpec((1, chunk, _NC), lambda i, j: (i, j, 0)),
            pl.BlockSpec((1, chunk, 1), lambda i, j: (i, j, 0)),
        ],
        out_shape=[
            jax.ShapeDtypeStruct((B, N, _NC), jnp.float32),
            jax.ShapeDtypeStruct((B, N, 1), jnp.float32),
        ],
    )(p)


def _box_kernel(t_ref, out_ref):
    s = jax.nn.sigmoid(t_ref[0])
    b = lax.broadcasted_iota(jnp.int32, (1, _NB), 1)
    l1 = b >= _N0
    l2 = b >= (_N0 + _N1)
    rel = b - jnp.where(l2, _N0 + _N1, jnp.where(l1, _N0, 0))
    y = jnp.where(l2, rel // 60, jnp.where(l1, rel // 120, rel // 240))
    q = rel // 3
    x = jnp.where(l2, q % 20, jnp.where(l1, q % 40, q % 80))
    a = rel - q * 3
    stride = jnp.where(l2, 32.0, jnp.where(l1, 16.0, 8.0))

    def sel3(v0, v1, v2):
        return jnp.where(a == 0, v0, jnp.where(a == 1, v1, v2))

    aw = jnp.where(l2, sel3(116.0, 156.0, 373.0),
                   jnp.where(l1, sel3(30.0, 62.0, 59.0), sel3(10.0, 16.0, 33.0)))
    ah = jnp.where(l2, sel3(90.0, 198.0, 326.0),
                   jnp.where(l1, sel3(61.0, 45.0, 119.0), sel3(13.0, 30.0, 23.0)))
    cx = (2.0 * s[0:1] - 0.5 + x.astype(jnp.float32)) * stride
    cy = (2.0 * s[1:2] - 0.5 + y.astype(jnp.float32)) * stride
    w = (4.0 * (s[2:3] * s[2:3])) * aw
    h = (4.0 * (s[3:4] * s[3:4])) * ah
    out_ref[0, 0:1, :] = jnp.clip(cx - w * 0.5, 0.0, _IM)
    out_ref[0, 1:2, :] = jnp.clip(cy - h * 0.5, 0.0, _IM)
    out_ref[0, 2:3, :] = jnp.clip(cx + w * 0.5, 0.0, _IM)
    out_ref[0, 3:4, :] = jnp.clip(cy + h * 0.5, 0.0, _IM)


def _nms_kernel(rows_ref, fold_ref, out_ref):
    ox1 = fold_ref[:, 0]
    oy1 = fold_ref[:, 1]
    ox2 = fold_ref[:, 2]
    oy2 = fold_ref[:, 3]
    area = fold_ref[:, 4]
    sc = fold_ref[:, 5]
    sub = lax.broadcasted_iota(jnp.int32, sc.shape, 1)
    lane = lax.broadcasted_iota(jnp.int32, sc.shape, 2)
    fidx = sub * 128 + lane
    keep0 = jnp.where(sc > _SCORE_THRESH, 1.0, 0.0)

    def body(i, keepf):
        r = rows_ref[:, pl.ds(i, 1), :]
        rx1 = r[:, :, 0:1]
        ry1 = r[:, :, 1:2]
        rx2 = r[:, :, 2:3]
        ry2 = r[:, :, 3:4]
        rarea = r[:, :, 4:5]
        xx1 = jnp.maximum(rx1, ox1)
        yy1 = jnp.maximum(ry1, oy1)
        xx2 = jnp.minimum(rx2, ox2)
        yy2 = jnp.minimum(ry2, oy2)
        iw = jnp.clip(xx2 - xx1, 0.0, None)
        ih = jnp.clip(yy2 - yy1, 0.0, None)
        inter = iw * ih
        iou = inter / (rarea + area - inter + 1e-7)
        ki = jnp.max(jnp.max(jnp.where(fidx == i, keepf, 0.0), axis=2,
                             keepdims=True), axis=1, keepdims=True)
        supf = jnp.where((iou > _NMS_THRESH) & (fidx > i), 1.0, 0.0) * ki
        return keepf * (1.0 - supf)

    keepf = lax.fori_loop(0, _K_PRE, body, keep0)
    out_ref[...] = jnp.where(keepf > 0.0, sc, -1.0)


def kernel(pred0, pred1, pred2, scale_factors):
    B = pred0.shape[0]
    p0 = pred0.reshape(B, _N0, 85)
    p1 = pred1.reshape(B, _N1, 85)
    p2 = pred2.reshape(B, _N2, 85)

    s0, mb0 = _score_call(p0, 2400)
    s1, mb1 = _score_call(p1, 2400)
    s2, mb2 = _score_call(p2, 1200)

    traw = jnp.concatenate([p0[..., :4], p1[..., :4], p2[..., :4]], axis=1)
    traw = traw.transpose(0, 2, 1)
    boxes = pl.pallas_call(
        _box_kernel,
        grid=(B,),
        in_specs=[pl.BlockSpec((1, 4, _NB), lambda i: (i, 0, 0))],
        out_specs=pl.BlockSpec((1, 4, _NB), lambda i: (i, 0, 0)),
        out_shape=jax.ShapeDtypeStruct((B, 4, _NB), jnp.float32),
    )(traw)

    KB = 1536
    _, b0 = lax.top_k(mb0[:, :, 0], KB)
    _, b1 = lax.top_k(mb1[:, :, 0], KB)
    g0 = jnp.take_along_axis(s0, b0[:, :, None], axis=1)
    g1 = jnp.take_along_axis(s1, b1[:, :, None], axis=1)
    gbox = jnp.concatenate(
        [b0, b1 + _N0,
         jnp.broadcast_to(jnp.arange(_N2, dtype=b0.dtype)[None] + _N0 + _N1,
                          (B, _N2))], axis=1)
    cand = jnp.concatenate([g0, g1, s2], axis=1)
    sc, li = lax.top_k(cand.reshape(B, -1), _K_PRE)
    idx = jnp.take_along_axis(gbox, li // _NC, axis=1) * _NC + li % _NC
    neg, idx, sc = lax.sort((-sc, idx, sc), dimension=1, num_keys=2)
    bi = idx // _NC
    lab = idx % _NC
    bx4 = jnp.take_along_axis(boxes, bi[:, None, :], axis=2)
    off = lab.astype(jnp.float32) * _MAX_SIZE
    o = bx4 + off[:, None, :]
    areas = (o[:, 2] - o[:, 0]) * (o[:, 3] - o[:, 1])

    pad = _KPAD - _K_PRE
    o_p = jnp.pad(o, ((0, 0), (0, 0), (0, pad)))
    areas_p = jnp.pad(areas, ((0, 0), (0, pad)))
    sc_p = jnp.pad(sc, ((0, 0), (0, pad)), constant_values=-1.0)
    fold = jnp.concatenate(
        [o_p, areas_p[:, None, :], sc_p[:, None, :]], axis=1
    ).reshape(B, 6, 8, 128)
    rows = jnp.concatenate(
        [o_p.transpose(0, 2, 1), areas_p[..., None], sc_p[..., None],
         jnp.zeros((B, _KPAD, 2), jnp.float32)], axis=2
    )

    ks = pl.pallas_call(
        _nms_kernel,
        grid=(1,),
        in_specs=[
            pl.BlockSpec((B, _KPAD, 8), lambda i: (0, 0, 0)),
            pl.BlockSpec((B, 6, 8, 128), lambda i: (0, 0, 0, 0)),
        ],
        out_specs=pl.BlockSpec((B, 8, 128), lambda i: (0, 0, 0)),
        out_shape=jax.ShapeDtypeStruct((B, 8, 128), jnp.float32),
    )(rows, fold)

    ks = ks.reshape(B, _KPAD)[:, :_K_PRE]
    fs, fi = lax.top_k(ks, _DETECTIONS)
    fb = jnp.take_along_axis(bx4, fi[:, None, :], axis=2)
    fb = fb / scale_factors[:, None, None]
    fl = jnp.take_along_axis(lab, fi, axis=1).astype(jnp.float32)
    m = (fs > _SCORE_THRESH).astype(jnp.float32)
    fb = fb.transpose(0, 2, 1) * m[:, :, None]
    return jnp.concatenate([fb, (fs * m)[:, :, None], (fl * m)[:, :, None]], axis=2)

# --- scband reference (transcript-rebuilt; emitter-appended) ---
"""Pipeline reference for scband-head-5549097746603 (READ-ONLY COPY).

The authoritative reference and input builder live on the scoring server;
editing this copy changes nothing except your own understanding.
"""

import jax, jax.numpy as jnp
import numpy as np

STRIDES = (8.0, 16.0, 32.0)
ANCHORS = np.array([[[10,13],[16,30],[33,23]],[[30,61],[62,45],[59,119]],[[116,90],[156,198],[373,326]]], dtype=np.float32)
SCORE_THRESH = 0.25
NMS_THRESH = 0.45
DETECTIONS = 300
K_PRE = 1000
MAX_SIZE = 4096.0
IM_H = 640.0
IM_W = 640.0
NC = 80


def setup_inputs(seed: int = 0):
    key = jax.random.key(seed)
    k0, k1, k2 = jax.random.split(key, 3)
    return {
        "pred0": jax.random.normal(k0, (8, 80, 80, 3, 85), jnp.float32),
        "pred1": jax.random.normal(k1, (8, 40, 40, 3, 85), jnp.float32),
        "pred2": jax.random.normal(k2, (8, 20, 20, 3, 85), jnp.float32),
        "scale_factors": jnp.ones((8,), jnp.float32),
    }


def _decode(pred, stride, anchor_wh):
    p = jax.nn.sigmoid(pred)
    B, Y, X, A, C = p.shape
    yv, xv = jnp.meshgrid(jnp.arange(Y, dtype=jnp.float32), jnp.arange(X, dtype=jnp.float32), indexing="ij")
    grid = jnp.stack((xv, yv), axis=-1)[None, :, :, None, :]
    xy = (2.0 * p[..., :2] - 0.5 + grid) * stride
    wh = 4.0 * p[..., 2:4] ** 2 * anchor_wh[None, None, None, :, :]
    obj = p[..., 4:5]
    cls = p[..., 5:]
    gate = (obj > SCORE_THRESH).astype(p.dtype)
    logits = obj * cls * gate
    boxes = jnp.concatenate([xy, wh], axis=-1).reshape(B, -1, 4)
    return boxes, logits.reshape(B, -1, C - 5)


def _box_iou(a, b):
    lt = jnp.maximum(a[:, None, :2], b[None, :, :2])
    rb = jnp.minimum(a[:, None, 2:], b[None, :, 2:])
    wh = jnp.clip(rb - lt, 0.0, None)
    inter = wh[..., 0] * wh[..., 1]
    area_a = (a[:, 2] - a[:, 0]) * (a[:, 3] - a[:, 1])
    area_b = (b[:, 2] - b[:, 0]) * (b[:, 3] - b[:, 1])
    return inter / (area_a[:, None] + area_b[None, :] - inter + 1e-7)


def _per_image(boxes_i, logits_i, scale_i):
    flat = logits_i.reshape(-1)
    s = jnp.where(flat > SCORE_THRESH, flat, -1.0)
    sc, idx = jax.lax.top_k(s, K_PRE)
    bi = idx // NC
    lab = idx % NC
    bx = boxes_i[bi]
    x1 = jnp.clip(bx[:, 0] - bx[:, 2] * 0.5, 0.0, IM_W)
    y1 = jnp.clip(bx[:, 1] - bx[:, 3] * 0.5, 0.0, IM_H)
    x2 = jnp.clip(bx[:, 0] + bx[:, 2] * 0.5, 0.0, IM_W)
    y2 = jnp.clip(bx[:, 1] + bx[:, 3] * 0.5, 0.0, IM_H)
    bxy = jnp.stack([x1, y1, x2, y2], axis=1)
    off = lab.astype(jnp.float32)[:, None] * MAX_SIZE
    nb = jax.lax.stop_gradient(bxy + off)
    iou = _box_iou(nb, nb)
    keep0 = jax.lax.stop_gradient(sc) > SCORE_THRESH

    def body(i, keep):
        sup = (iou[i] > NMS_THRESH) & (jnp.arange(K_PRE) > i) & keep[i]
        return keep & (~sup)

    keep = jax.lax.fori_loop(0, K_PRE, body, keep0)
    ks = jnp.where(keep, sc, -1.0)
    fs, fi = jax.lax.top_k(ks, DETECTIONS)
    fb = bxy[fi] / scale_i
    fl = lab[fi].astype(jnp.float32)
    m = (jax.lax.stop_gradient(fs) > SCORE_THRESH).astype(jnp.float32)
    return jnp.concatenate([fb * m[:, None], (fs * m)[:, None], (fl * m)[:, None]], axis=1)


def reference(pred0, pred1, pred2, scale_factors):
    preds = (pred0, pred1, pred2)
    all_boxes, all_logits = [], []
    for p, s, a in zip(preds, STRIDES, ANCHORS):
        b, l = _decode(p, s, jnp.asarray(a))
        all_boxes.append(b)
        all_logits.append(l)
    boxes = jnp.concatenate(all_boxes, axis=1)
    logits = jnp.concatenate(all_logits, axis=1)
    return jax.vmap(_per_image)(boxes, logits, scale_factors)

if __name__ == "__main__":
    import jax
    _d = setup_inputs()
    print(jax.jit(kernel)(*tuple(_d.values())))

</pallas_src>

<mosaic_0001>
module attributes {stable_mosaic.version = 14 : i64} {
  func.func @_score_kernel(%arg0: i32, %arg1: i32, %arg2: memref<1x2400x85xf32, #tpu.memory_space<vmem>>, %arg3: memref<1x2400x80xf32, #tpu.memory_space<vmem>>, %arg4: memref<1x2400x1xf32, #tpu.memory_space<vmem>>) attributes {dimension_semantics = [#tpu.dimension_semantics<arbitrary>, #tpu.dimension_semantics<arbitrary>], iteration_bounds = array<i64: 8, 2>, scalar_prefetch = 0 : i64, scratch_operands = 0 : i64, tpu.core_type = #tpu.core_type<tc>, window_params = [{transform_indices = @transform_0, window_bounds = array<i64: 1, 2400, 85>}, {transform_indices = @transform_1, window_bounds = array<i64: 1, 2400, 80>}, {transform_indices = @transform_2, window_bounds = array<i64: 1, 2400, 1>}]} {
    %get3A = arith.constant 0 : index
    %get3A_0 = arith.constant 0 : index
    %get3A_1 = arith.constant 0 : index
    %get3A_2 = vector.load %arg2[%get3A, %get3A_0, %get3A_1] : memref<1x2400x85xf32, #tpu.memory_space<vmem>>, vector<1x2400x85xf32>
    %get3A_3 = vector.shape_cast %get3A_2 : vector<1x2400x85xf32> to vector<2400x85xf32>
    %slice3A = vector.extract_strided_slice %get3A_3 {offsets = [0, 4], sizes = [2400, 81], strides = [1, 1]} : vector<2400x85xf32> to vector<2400x81xf32>
    %logistic3A = arith.negf %slice3A : vector<2400x81xf32>
    %logistic3A_4 = math.exp %logistic3A : vector<2400x81xf32>
    %logistic3A_5 = arith.constant 1.000000e+00 : f32
    %logistic3A_6 = vector.broadcast %logistic3A_5 : f32 to vector<2400x81xf32>
    %logistic3A_7 = arith.addf %logistic3A_6, %logistic3A_4 : vector<2400x81xf32>
    %logistic3A_8 = arith.divf %logistic3A_6, %logistic3A_7 : vector<2400x81xf32>
    %slice3A_9 = vector.extract_strided_slice %logistic3A_8 {offsets = [0, 0], sizes = [2400, 1], strides = [1, 1]} : vector<2400x81xf32> to vector<2400x1xf32>
    %slice3A_10 = vector.extract_strided_slice %logistic3A_8 {offsets = [0, 1], sizes = [2400, 80], strides = [1, 1]} : vector<2400x81xf32> to vector<2400x80xf32>
    %gt3A = arith.constant 2.500000e-01 : f32
    %gt3A_11 = vector.broadcast %gt3A : f32 to vector<2400x1xf32>
    %gt3A_12 = arith.cmpf ogt, %slice3A_9, %gt3A_11 : vector<2400x1xf32>
    %convert_element_type3A = arith.extui %gt3A_12 : vector<2400x1xi1> to vector<2400x1xi32>
    %convert_element_type3A_13 = arith.sitofp %convert_element_type3A : vector<2400x1xi32> to vector<2400x1xf32>
    %mul3A = vector.broadcast %slice3A_9 : vector<2400x1xf32> to vector<2400x80xf32>
    %mul3A_14 = arith.mulf %mul3A, %slice3A_10 : vector<2400x80xf32>
    %mul3A_15 = vector.broadcast %convert_element_type3A_13 : vector<2400x1xf32> to vector<2400x80xf32>
    %mul3A_16 = arith.mulf %mul3A_14, %mul3A_15 : vector<2400x80xf32>
    %gt3A_17 = arith.constant 2.500000e-01 : f32
    %gt3A_18 = vector.broadcast %gt3A_17 : f32 to vector<2400x80xf32>
    %gt3A_19 = arith.cmpf ogt, %mul3A_16, %gt3A_18 : vector<2400x80xf32>
    %jit3A = arith.constant -1.000000e+00 : f32
    %broadcast_in_dim3A = vector.broadcast %jit3A : f32 to vector<2400x80xf32>
    %select_n3A = arith.select %gt3A_19, %mul3A_16, %broadcast_in_dim3A : vector<2400x80xi1>, vector<2400x80xf32>
    %swap3A = arith.constant 0 : index
    %swap3A_20 = arith.constant 0 : index
    %swap3A_21 = arith.constant 0 : index
    %swap3A_22 = vector.load %arg3[%swap3A, %swap3A_20, %swap3A_21] : memref<1x2400x80xf32, #tpu.memory_space<vmem>>, vector<1x2400x80xf32>
    %swap3A_23 = vector.shape_cast %swap3A_22 : vector<1x2400x80xf32> to vector<2400x80xf32>
    %swap3A_24 = vector.shape_cast %select_n3A : vector<2400x80xf32> to vector<1x2400x80xf32>
    tpu.vector_store %arg3[%swap3A, %swap3A_20, %swap3A_21], %swap3A_24 {strides = array<i32>} : memref<1x2400x80xf32, #tpu.memory_space<vmem>>, vector<1x2400x80xf32>,
    %reduce_max3A = arith.constant dense<0xFF800000> : vector<2400xf32>
    %reduce_max3A_25 = vector.multi_reduction <maximumf>, %select_n3A, %reduce_max3A [1] : vector<2400x80xf32> to vector<2400xf32>
    %broadcast_in_dim3A_26 = vector.shape_cast %reduce_max3A_25 : vector<2400xf32> to vector<2400x1xf32>
    %swap3A_27 = arith.constant 0 : index
    %swap3A_28 = arith.constant 0 : index
    %swap3A_29 = arith.constant 0 : index
    %swap3A_30 = vector.load %arg4[%swap3A_27, %swap3A_28, %swap3A_29] : memref<1x2400x1xf32, #tpu.memory_space<vmem>>, vector<1x2400x1xf32>
    %swap3A_31 = vector.shape_cast %swap3A_30 : vector<1x2400x1xf32> to vector<2400x1xf32>
    %swap3A_32 = vector.shape_cast %broadcast_in_dim3A_26 : vector<2400x1xf32> to vector<1x2400x1xf32>
    tpu.vector_store %arg4[%swap3A_27, %swap3A_28, %swap3A_29], %swap3A_32 {strides = array<i32>} : memref<1x2400x1xf32, #tpu.memory_space<vmem>>, vector<1x2400x1xf32>,
    return
  }
  func.func @transform_0(%arg0: i32, %arg1: i32) -> (i32, i32, i32) {
    %c0_i32 = arith.constant 0 : i32
    %c0_i32_0 = arith.constant 0 : i32
    return %arg0, %arg1, %c0_i32 : i32, i32, i32
  }
  func.func @transform_1(%arg0: i32, %arg1: i32) -> (i32, i32, i32) {
    %c0_i32 = arith.constant 0 : i32
    %c0_i32_0 = arith.constant 0 : i32
    return %arg0, %arg1, %c0_i32 : i32, i32, i32
  }
  func.func @transform_2(%arg0: i32, %arg1: i32) -> (i32, i32, i32) {
    %c0_i32 = arith.constant 0 : i32
    %c0_i32_0 = arith.constant 0 : i32
    return %arg0, %arg1, %c0_i32 : i32, i32, i32
  }
}

module attributes {stable_mosaic.version = 14 : i64} {
  func.func @_score_kernel(%arg0: i32, %arg1: i32, %arg2: memref<1x2400x85xf32, #tpu.memory_space<vmem>>, %arg3: memref<1x2400x80xf32, #tpu.memory_space<vmem>>, %arg4: memref<1x2400x1xf32, #tpu.memory_space<vmem>>) attributes {dimension_semantics = [#tpu.dimension_semantics<arbitrary>, #tpu.dimension_semantics<arbitrary>], iteration_bounds = array<i64: 8, 8>, scalar_prefetch = 0 : i64, scratch_operands = 0 : i64, tpu.core_type = #tpu.core_type<tc>, window_params = [{transform_indices = @transform_0, window_bounds = array<i64: 1, 2400, 85>}, {transform_indices = @transform_1, window_bounds = array<i64: 1, 2400, 80>}, {transform_indices = @transform_2, window_bounds = array<i64: 1, 2400, 1>}]} {
    %get3A = arith.constant 0 : index
    %get3A_0 = arith.constant 0 : index
    %get3A_1 = arith.constant 0 : index
    %get3A_2 = vector.load %arg2[%get3A, %get3A_0, %get3A_1] : memref<1x2400x85xf32, #tpu.memory_space<vmem>>, vector<1x2400x85xf32>
    %get3A_3 = vector.shape_cast %get3A_2 : vector<1x2400x85xf32> to vector<2400x85xf32>
    %slice3A = vector.extract_strided_slice %get3A_3 {offsets = [0, 4], sizes = [2400, 81], strides = [1, 1]} : vector<2400x85xf32> to vector<2400x81xf32>
    %logistic3A = arith.negf %slice3A : vector<2400x81xf32>
    %logistic3A_4 = math.exp %logistic3A : vector<2400x81xf32>
    %logistic3A_5 = arith.constant 1.000000e+00 : f32
    %logistic3A_6 = vector.broadcast %logistic3A_5 : f32 to vector<2400x81xf32>
    %logistic3A_7 = arith.addf %logistic3A_6, %logistic3A_4 : vector<2400x81xf32>
    %logistic3A_8 = arith.divf %logistic3A_6, %logistic3A_7 : vector<2400x81xf32>
    %slice3A_9 = vector.extract_strided_slice %logistic3A_8 {offsets = [0, 0], sizes = [2400, 1], strides = [1, 1]} : vector<2400x81xf32> to vector<2400x1xf32>
    %slice3A_10 = vector.extract_strided_slice %logistic3A_8 {offsets = [0, 1], sizes = [2400, 80], strides = [1, 1]} : vector<2400x81xf32> to vector<2400x80xf32>
    %gt3A = arith.constant 2.500000e-01 : f32
    %gt3A_11 = vector.broadcast %gt3A : f32 to vector<2400x1xf32>
    %gt3A_12 = arith.cmpf ogt, %slice3A_9, %gt3A_11 : vector<2400x1xf32>
    %convert_element_type3A = arith.extui %gt3A_12 : vector<2400x1xi1> to vector<2400x1xi32>
    %convert_element_type3A_13 = arith.sitofp %convert_element_type3A : vector<2400x1xi32> to vector<2400x1xf32>
    %mul3A = vector.broadcast %slice3A_9 : vector<2400x1xf32> to vector<2400x80xf32>
    %mul3A_14 = arith.mulf %mul3A, %slice3A_10 : vector<2400x80xf32>
    %mul3A_15 = vector.broadcast %convert_element_type3A_13 : vector<2400x1xf32> to vector<2400x80xf32>
    %mul3A_16 = arith.mulf %mul3A_14, %mul3A_15 : vector<2400x80xf32>
    %gt3A_17 = arith.constant 2.500000e-01 : f32
    %gt3A_18 = vector.broadcast %gt3A_17 : f32 to vector<2400x80xf32>
    %gt3A_19 = arith.cmpf ogt, %mul3A_16, %gt3A_18 : vector<2400x80xf32>
    %jit3A = arith.constant -1.000000e+00 : f32
    %broadcast_in_dim3A = vector.broadcast %jit3A : f32 to vector<2400x80xf32>
    %select_n3A = arith.select %gt3A_19, %mul3A_16, %broadcast_in_dim3A : vector<2400x80xi1>, vector<2400x80xf32>
    %swap3A = arith.constant 0 : index
    %swap3A_20 = arith.constant 0 : index
    %swap3A_21 = arith.constant 0 : index
    %swap3A_22 = vector.load %arg3[%swap3A, %swap3A_20, %swap3A_21] : memref<1x2400x80xf32, #tpu.memory_space<vmem>>, vector<1x2400x80xf32>
    %swap3A_23 = vector.shape_cast %swap3A_22 : vector<1x2400x80xf32> to vector<2400x80xf32>
    %swap3A_24 = vector.shape_cast %select_n3A : vector<2400x80xf32> to vector<1x2400x80xf32>
    tpu.vector_store %arg3[%swap3A, %swap3A_20, %swap3A_21], %swap3A_24 {strides = array<i32>} : memref<1x2400x80xf32, #tpu.memory_space<vmem>>, vector<1x2400x80xf32>,
    %reduce_max3A = arith.constant dense<0xFF800000> : vector<2400xf32>
    %reduce_max3A_25 = vector.multi_reduction <maximumf>, %select_n3A, %reduce_max3A [1] : vector<2400x80xf32> to vector<2400xf32>
    %broadcast_in_dim3A_26 = vector.shape_cast %reduce_max3A_25 : vector<2400xf32> to vector<2400x1xf32>
    %swap3A_27 = arith.constant 0 : index
    %swap3A_28 = arith.constant 0 : index
    %swap3A_29 = arith.constant 0 : index
    %swap3A_30 = vector.load %arg4[%swap3A_27, %swap3A_28, %swap3A_29] : memref<1x2400x1xf32, #tpu.memory_space<vmem>>, vector<1x2400x1xf32>
    %swap3A_31 = vector.shape_cast %swap3A_30 : vector<1x2400x1xf32> to vector<2400x1xf32>
    %swap3A_32 = vector.shape_cast %broadcast_in_dim3A_26 : vector<2400x1xf32> to vector<1x2400x1xf32>
    tpu.vector_store %arg4[%swap3A_27, %swap3A_28, %swap3A_29], %swap3A_32 {strides = array<i32>} : memref<1x2400x1xf32, #tpu.memory_space<vmem>>, vector<1x2400x1xf32>,
    return
  }
  func.func @transform_0(%arg0: i32, %arg1: i32) -> (i32, i32, i32) {
    %c0_i32 = arith.constant 0 : i32
    %c0_i32_0 = arith.constant 0 : i32
    return %arg0, %arg1, %c0_i32 : i32, i32, i32
  }
  func.func @transform_1(%arg0: i32, %arg1: i32) -> (i32, i32, i32) {
    %c0_i32 = arith.constant 0 : i32
    %c0_i32_0 = arith.constant 0 : i32
    return %arg0, %arg1, %c0_i32 : i32, i32, i32
  }
  func.func @transform_2(%arg0: i32, %arg1: i32) -> (i32, i32, i32) {
    %c0_i32 = arith.constant 0 : i32
    %c0_i32_0 = arith.constant 0 : i32
    return %arg0, %arg1, %c0_i32 : i32, i32, i32
  }
}

module attributes {stable_mosaic.version = 14 : i64} {
  func.func @_score_kernel(%arg0: i32, %arg1: i32, %arg2: memref<1x1200x85xf32, #tpu.memory_space<vmem>>, %arg3: memref<1x1200x80xf32, #tpu.memory_space<vmem>>, %arg4: memref<1x1200x1xf32, #tpu.memory_space<vmem>>) attributes {dimension_semantics = [#tpu.dimension_semantics<arbitrary>, #tpu.dimension_semantics<arbitrary>], iteration_bounds = array<i64: 8, 1>, scalar_prefetch = 0 : i64, scratch_operands = 0 : i64, tpu.core_type = #tpu.core_type<tc>, window_params = [{transform_indices = @transform_0, window_bounds = array<i64: 1, 1200, 85>}, {transform_indices = @transform_1, window_bounds = array<i64: 1, 1200, 80>}, {transform_indices = @transform_2, window_bounds = array<i64: 1, 1200, 1>}]} {
    %get3A = arith.constant 0 : index
    %get3A_0 = arith.constant 0 : index
    %get3A_1 = arith.constant 0 : index
    %get3A_2 = vector.load %arg2[%get3A, %get3A_0, %get3A_1] : memref<1x1200x85xf32, #tpu.memory_space<vmem>>, vector<1x1200x85xf32>
    %get3A_3 = vector.shape_cast %get3A_2 : vector<1x1200x85xf32> to vector<1200x85xf32>
    %slice3A = vector.extract_strided_slice %get3A_3 {offsets = [0, 4], sizes = [1200, 81], strides = [1, 1]} : vector<1200x85xf32> to vector<1200x81xf32>
    %logistic3A = arith.negf %slice3A : vector<1200x81xf32>
    %logistic3A_4 = math.exp %logistic3A : vector<1200x81xf32>
    %logistic3A_5 = arith.constant 1.000000e+00 : f32
    %logistic3A_6 = vector.broadcast %logistic3A_5 : f32 to vector<1200x81xf32>
    %logistic3A_7 = arith.addf %logistic3A_6, %logistic3A_4 : vector<1200x81xf32>
    %logistic3A_8 = arith.divf %logistic3A_6, %logistic3A_7 : vector<1200x81xf32>
    %slice3A_9 = vector.extract_strided_slice %logistic3A_8 {offsets = [0, 0], sizes = [1200, 1], strides = [1, 1]} : vector<1200x81xf32> to vector<1200x1xf32>
    %slice3A_10 = vector.extract_strided_slice %logistic3A_8 {offsets = [0, 1], sizes = [1200, 80], strides = [1, 1]} : vector<1200x81xf32> to vector<1200x80xf32>
    %gt3A = arith.constant 2.500000e-01 : f32
    %gt3A_11 = vector.broadcast %gt3A : f32 to vector<1200x1xf32>
    %gt3A_12 = arith.cmpf ogt, %slice3A_9, %gt3A_11 : vector<1200x1xf32>
    %convert_element_type3A = arith.extui %gt3A_12 : vector<1200x1xi1> to vector<1200x1xi32>
    %convert_element_type3A_13 = arith.sitofp %convert_element_type3A : vector<1200x1xi32> to vector<1200x1xf32>
    %mul3A = vector.broadcast %slice3A_9 : vector<1200x1xf32> to vector<1200x80xf32>
    %mul3A_14 = arith.mulf %mul3A, %slice3A_10 : vector<1200x80xf32>
    %mul3A_15 = vector.broadcast %convert_element_type3A_13 : vector<1200x1xf32> to vector<1200x80xf32>
    %mul3A_16 = arith.mulf %mul3A_14, %mul3A_15 : vector<1200x80xf32>
    %gt3A_17 = arith.constant 2.500000e-01 : f32
    %gt3A_18 = vector.broadcast %gt3A_17 : f32 to vector<1200x80xf32>
    %gt3A_19 = arith.cmpf ogt, %mul3A_16, %gt3A_18 : vector<1200x80xf32>
    %jit3A = arith.constant -1.000000e+00 : f32
    %broadcast_in_dim3A = vector.broadcast %jit3A : f32 to vector<1200x80xf32>
    %select_n3A = arith.select %gt3A_19, %mul3A_16, %broadcast_in_dim3A : vector<1200x80xi1>, vector<1200x80xf32>
    %swap3A = arith.constant 0 : index
    %swap3A_20 = arith.constant 0 : index
    %swap3A_21 = arith.constant 0 : index
    %swap3A_22 = vector.load %arg3[%swap3A, %swap3A_20, %swap3A_21] : memref<1x1200x80xf32, #tpu.memory_space<vmem>>, vector<1x1200x80xf32>
    %swap3A_23 = vector.shape_cast %swap3A_22 : vector<1x1200x80xf32> to vector<1200x80xf32>
    %swap3A_24 = vector.shape_cast %select_n3A : vector<1200x80xf32> to vector<1x1200x80xf32>
    tpu.vector_store %arg3[%swap3A, %swap3A_20, %swap3A_21], %swap3A_24 {strides = array<i32>} : memref<1x1200x80xf32, #tpu.memory_space<vmem>>, vector<1x1200x80xf32>,
    %reduce_max3A = arith.constant dense<0xFF800000> : vector<1200xf32>
    %reduce_max3A_25 = vector.multi_reduction <maximumf>, %select_n3A, %reduce_max3A [1] : vector<1200x80xf32> to vector<1200xf32>
    %broadcast_in_dim3A_26 = vector.shape_cast %reduce_max3A_25 : vector<1200xf32> to vector<1200x1xf32>
    %swap3A_27 = arith.constant 0 : index
    %swap3A_28 = arith.constant 0 : index
    %swap3A_29 = arith.constant 0 : index
    %swap3A_30 = vector.load %arg4[%swap3A_27, %swap3A_28, %swap3A_29] : memref<1x1200x1xf32, #tpu.memory_space<vmem>>, vector<1x1200x1xf32>
    %swap3A_31 = vector.shape_cast %swap3A_30 : vector<1x1200x1xf32> to vector<1200x1xf32>
    %swap3A_32 = vector.shape_cast %broadcast_in_dim3A_26 : vector<1200x1xf32> to vector<1x1200x1xf32>
    tpu.vector_store %arg4[%swap3A_27, %swap3A_28, %swap3A_29], %swap3A_32 {strides = array<i32>} : memref<1x1200x1xf32, #tpu.memory_space<vmem>>, vector<1x1200x1xf32>,
    return
  }
  func.func @transform_0(%arg0: i32, %arg1: i32) -> (i32, i32, i32) {
    %c0_i32 = arith.constant 0 : i32
    %c0_i32_0 = arith.constant 0 : i32
    return %arg0, %arg1, %c0_i32 : i32, i32, i32
  }
  func.func @transform_1(%arg0: i32, %arg1: i32) -> (i32, i32, i32) {
    %c0_i32 = arith.constant 0 : i32
    %c0_i32_0 = arith.constant 0 : i32
    return %arg0, %arg1, %c0_i32 : i32, i32, i32
  }
  func.func @transform_2(%arg0: i32, %arg1: i32) -> (i32, i32, i32) {
    %c0_i32 = arith.constant 0 : i32
    %c0_i32_0 = arith.constant 0 : i32
    return %arg0, %arg1, %c0_i32 : i32, i32, i32
  }
}

module attributes {stable_mosaic.version = 14 : i64} {
  func.func @_box_kernel(%arg0: i32, %arg1: memref<1x4x25200xf32, #tpu.memory_space<vmem>>, %arg2: memref<1x4x25200xf32, #tpu.memory_space<vmem>>) attributes {dimension_semantics = [#tpu.dimension_semantics<arbitrary>], iteration_bounds = array<i64: 8>, scalar_prefetch = 0 : i64, scratch_operands = 0 : i64, tpu.core_type = #tpu.core_type<tc>, window_params = [{transform_indices = @transform_0, window_bounds = array<i64: 1, 4, 25200>}, {transform_indices = @transform_1, window_bounds = array<i64: 1, 4, 25200>}]} {
    %get3A = arith.constant 0 : index
    %get3A_0 = arith.constant 0 : index
    %get3A_1 = arith.constant 0 : index
    %get3A_2 = vector.load %arg1[%get3A, %get3A_0, %get3A_1] : memref<1x4x25200xf32, #tpu.memory_space<vmem>>, vector<1x4x25200xf32>
    %get3A_3 = vector.shape_cast %get3A_2 : vector<1x4x25200xf32> to vector<4x25200xf32>
    %logistic3A = arith.negf %get3A_3 : vector<4x25200xf32>
    %logistic3A_4 = math.exp %logistic3A : vector<4x25200xf32>
    %logistic3A_5 = arith.constant 1.000000e+00 : f32
    %logistic3A_6 = vector.broadcast %logistic3A_5 : f32 to vector<4x25200xf32>
    %logistic3A_7 = arith.addf %logistic3A_6, %logistic3A_4 : vector<4x25200xf32>
    %logistic3A_8 = arith.divf %logistic3A_6, %logistic3A_7 : vector<4x25200xf32>
    %iota3A = tpu.iota {dimensions = array<i32: 1>} : vector<1x25200xi32>
    %ge3A = arith.constant 19200 : i32
    %ge3A_9 = vector.broadcast %ge3A : i32 to vector<1x25200xi32>
    %ge3A_10 = arith.cmpi sge, %iota3A, %ge3A_9 : vector<1x25200xi32>
    %ge3A_11 = arith.constant 24000 : i32
    %ge3A_12 = vector.broadcast %ge3A_11 : i32 to vector<1x25200xi32>
    %ge3A_13 = arith.cmpi sge, %iota3A, %ge3A_12 : vector<1x25200xi32>
    %jit3A = arith.constant 19200 : i32
    %jit3A_14 = arith.constant 0 : i32
    %broadcast_in_dim3A = vector.broadcast %jit3A : i32 to vector<1x25200xi32>
    %broadcast_in_dim3A_15 = vector.broadcast %jit3A_14 : i32 to vector<1x25200xi32>
    %select_n3A = arith.select %ge3A_10, %broadcast_in_dim3A, %broadcast_in_dim3A_15 : vector<1x25200xi1>, vector<1x25200xi32>
    %jit3A_16 = arith.constant 24000 : i32
    %broadcast_in_dim3A_17 = vector.broadcast %jit3A_16 : i32 to vector<1x25200xi32>
    %select_n3A_18 = arith.select %ge3A_13, %broadcast_in_dim3A_17, %select_n3A : vector<1x25200xi1>, vector<1x25200xi32>
    %sub3A = arith.subi %iota3A, %select_n3A_18 : vector<1x25200xi32>
    %jit3A_19 = arith.constant 60 : i32
    %div3A = vector.broadcast %jit3A_19 : i32 to vector<1x25200xi32>
    %div3A_20 = arith.divsi %sub3A, %div3A : vector<1x25200xi32>
    %sign3A = arith.constant 0 : i32
    %sign3A_21 = vector.broadcast %sign3A : i32 to vector<1x25200xi32>
    %sign3A_22 = arith.cmpi sgt, %sub3A, %sign3A_21 : vector<1x25200xi32>
    %sign3A_23 = arith.extui %sign3A_22 : vector<1x25200xi1> to vector<1x25200xi32>
    %sign3A_24 = arith.constant 0 : i32
    %sign3A_25 = vector.broadcast %sign3A_24 : i32 to vector<1x25200xi32>
    %sign3A_26 = arith.cmpi slt, %sub3A, %sign3A_25 : vector<1x25200xi32>
    %sign3A_27 = arith.extui %sign3A_26 : vector<1x25200xi1> to vector<1x25200xi32>
    %sign3A_28 = arith.subi %sign3A_23, %sign3A_27 : vector<1x25200xi32>
    %sign3A_29 = arith.constant 0 : i32
    %sign3A_30 = arith.cmpi sgt, %jit3A_19, %sign3A_29 : i32
    %sign3A_31 = arith.extui %sign3A_30 : i1 to i32
    %sign3A_32 = arith.constant 0 : i32
    %sign3A_33 = arith.cmpi slt, %jit3A_19, %sign3A_32 : i32
    %sign3A_34 = arith.extui %sign3A_33 : i1 to i32
    %sign3A_35 = arith.subi %sign3A_31, %sign3A_34 : i32
    %ne3A = vector.broadcast %sign3A_35 : i32 to vector<1x25200xi32>
    %ne3A_36 = arith.cmpi ne, %sign3A_28, %ne3A : vector<1x25200xi32>
    %rem3A = vector.broadcast %jit3A_19 : i32 to vector<1x25200xi32>
    %rem3A_37 = arith.remsi %sub3A, %rem3A : vector<1x25200xi32>
    %ne3A_38 = arith.constant 0 : i32
    %ne3A_39 = vector.broadcast %ne3A_38 : i32 to vector<1x25200xi32>
    %ne3A_40 = arith.cmpi ne, %rem3A_37, %ne3A_39 : vector<1x25200xi32>
    %and3A = arith.andi %ne3A_36, %ne3A_40 : vector<1x25200xi1>
    %sub3A_41 = arith.constant 1 : i32
    %sub3A_42 = vector.broadcast %sub3A_41 : i32 to vector<1x25200xi32>
    %sub3A_43 = arith.subi %div3A_20, %sub3A_42 : vector<1x25200xi32>
    %select_n3A_44 = arith.select %and3A, %sub3A_43, %div3A_20 : vector<1x25200xi1>, vector<1x25200xi32>
    %jit3A_45 = arith.constant 120 : i32
    %div3A_46 = vector.broadcast %jit3A_45 : i32 to vector<1x25200xi32>
    %div3A_47 = arith.divsi %sub3A, %div3A_46 : vector<1x25200xi32>
    %sign3A_48 = arith.constant 0 : i32
    %sign3A_49 = vector.broadcast %sign3A_48 : i32 to vector<1x25200xi32>
    %sign3A_50 = arith.cmpi sgt, %sub3A, %sign3A_49 : vector<1x25200xi32>
    %sign3A_51 = arith.extui %sign3A_50 : vector<1x25200xi1> to vector<1x25200xi32>
    %sign3A_52 = arith.constant 0 : i32
    %sign3A_53 = vector.broadcast %sign3A_52 : i32 to vector<1x25200xi32>
    %sign3A_54 = arith.cmpi slt, %sub3A, %sign3A_53 : vector<1x25200xi32>
    %sign3A_55 = arith.extui %sign3A_54 : vector<1x25200xi1> to vector<1x25200xi32>
    %sign3A_56 = arith.subi %sign3A_51, %sign3A_55 : vector<1x25200xi32>
    %sign3A_57 = arith.constant 0 : i32
    %sign3A_58 = arith.cmpi sgt, %jit3A_45, %sign3A_57 : i32
    %sign3A_59 = arith.extui %sign3A_58 : i1 to i32
    %sign3A_60 = arith.constant 0 : i32
    %sign3A_61 = arith.cmpi slt, %jit3A_45, %sign3A_60 : i32
    %sign3A_62 = arith.extui %sign3A_61 : i1 to i32
    %sign3A_63 = arith.subi %sign3A_59, %sign3A_62 : i32
    %ne3A_64 = vector.broadcast %sign3A_63 : i32 to vector<1x25200xi32>
    %ne3A_65 = arith.cmpi ne, %sign3A_56, %ne3A_64 : vector<1x25200xi32>
    %rem3A_66 = vector.broadcast %jit3A_45 : i32 to vector<1x25200xi32>
    %rem3A_67 = arith.remsi %sub3A, %rem3A_66 : vector<1x25200xi32>
    %ne3A_68 = arith.constant 0 : i32
    %ne3A_69 = vector.broadcast %ne3A_68 : i32 to vector<1x25200xi32>
    %ne3A_70 = arith.cmpi ne, %rem3A_67, %ne3A_69 : vector<1x25200xi32>
    %and3A_71 = arith.andi %ne3A_65, %ne3A_70 : vector<1x25200xi1>
    %sub3A_72 = arith.constant 1 : i32
    %sub3A_73 = vector.broadcast %sub3A_72 : i32 to vector<1x25200xi32>
    %sub3A_74 = arith.subi %div3A_47, %sub3A_73 : vector<1x25200xi32>
    %select_n3A_75 = arith.select %and3A_71, %sub3A_74, %div3A_47 : vector<1x25200xi1>, vector<1x25200xi32>
    %jit3A_76 = arith.constant 240 : i32
    %div3A_77 = vector.broadcast %jit3A_76 : i32 to vector<1x25200xi32>
    %div3A_78 = arith.divsi %sub3A, %div3A_77 : vector<1x25200xi32>
    %sign3A_79 = arith.constant 0 : i32
    %sign3A_80 = vector.broadcast %sign3A_79 : i32 to vector<1x25200xi32>
    %sign3A_81 = arith.cmpi sgt, %sub3A, %sign3A_80 : vector<1x25200xi32>
    %sign3A_82 = arith.extui %sign3A_81 : vector<1x25200xi1> to vector<1x25200xi32>
    %sign3A_83 = arith.constant 0 : i32
    %sign3A_84 = vector.broadcast %sign3A_83 : i32 to vector<1x25200xi32>
    %sign3A_85 = arith.cmpi slt, %sub3A, %sign3A_84 : vector<1x25200xi32>
    %sign3A_86 = arith.extui %sign3A_85 : vector<1x25200xi1> to vector<1x25200xi32>
    %sign3A_87 = arith.subi %sign3A_82, %sign3A_86 : vector<1x25200xi32>
    %sign3A_88 = arith.constant 0 : i32
    %sign3A_89 = arith.cmpi sgt, %jit3A_76, %sign3A_88 : i32
    %sign3A_90 = arith.extui %sign3A_89 : i1 to i32
    %sign3A_91 = arith.constant 0 : i32
    %sign3A_92 = arith.cmpi slt, %jit3A_76, %sign3A_91 : i32
    %sign3A_93 = arith.extui %sign3A_92 : i1 to i32
    %sign3A_94 = arith.subi %sign3A_90, %sign3A_93 : i32
    %ne3A_95 = vector.broadcast %sign3A_94 : i32 to vector<1x25200xi32>
    %ne3A_96 = arith.cmpi ne, %sign3A_87, %ne3A_95 : vector<1x25200xi32>
    %rem3A_97 = vector.broadcast %jit3A_76 : i32 to vector<1x25200xi32>
    %rem3A_98 = arith.remsi %sub3A, %rem3A_97 : vector<1x25200xi32>
    %ne3A_99 = arith.constant 0 : i32
    %ne3A_100 = vector.broadcast %ne3A_99 : i32 to vector<1x25200xi32>
    %ne3A_101 = arith.cmpi ne, %rem3A_98, %ne3A_100 : vector<1x25200xi32>
    %and3A_102 = arith.andi %ne3A_96, %ne3A_101 : vector<1x25200xi1>
    %sub3A_103 = arith.constant 1 : i32
    %sub3A_104 = vector.broadcast %sub3A_103 : i32 to vector<1x25200xi32>
    %sub3A_105 = arith.subi %div3A_78, %sub3A_104 : vector<1x25200xi32>
    %select_n3A_106 = arith.select %and3A_102, %sub3A_105, %div3A_78 : vector<1x25200xi1>, vector<1x25200xi32>
    %select_n3A_107 = arith.select %ge3A_10, %select_n3A_75, %select_n3A_106 : vector<1x25200xi1>, vector<1x25200xi32>
    %select_n3A_108 = arith.select %ge3A_13, %select_n3A_44, %select_n3A_107 : vector<1x25200xi1>, vector<1x25200xi32>
    %jit3A_109 = arith.constant 3 : i32
    %div3A_110 = vector.broadcast %jit3A_109 : i32 to vector<1x25200xi32>
    %div3A_111 = arith.divsi %sub3A, %div3A_110 : vector<1x25200xi32>
    %sign3A_112 = arith.constant 0 : i32
    %sign3A_113 = vector.broadcast %sign3A_112 : i32 to vector<1x25200xi32>
    %sign3A_114 = arith.cmpi sgt, %sub3A, %sign3A_113 : vector<1x25200xi32>
    %sign3A_115 = arith.extui %sign3A_114 : vector<1x25200xi1> to vector<1x25200xi32>
    %sign3A_116 = arith.constant 0 : i32
    %sign3A_117 = vector.broadcast %sign3A_116 : i32 to vector<1x25200xi32>
    %sign3A_118 = arith.cmpi slt, %sub3A, %sign3A_117 : vector<1x25200xi32>
    %sign3A_119 = arith.extui %sign3A_118 : vector<1x25200xi1> to vector<1x25200xi32>
    %sign3A_120 = arith.subi %sign3A_115, %sign3A_119 : vector<1x25200xi32>
    %sign3A_121 = arith.constant 0 : i32
    %sign3A_122 = arith.cmpi sgt, %jit3A_109, %sign3A_121 : i32
    %sign3A_123 = arith.extui %sign3A_122 : i1 to i32
    %sign3A_124 = arith.constant 0 : i32
    %sign3A_125 = arith.cmpi slt, %jit3A_109, %sign3A_124 : i32
    %sign3A_126 = arith.extui %sign3A_125 : i1 to i32
    %sign3A_127 = arith.subi %sign3A_123, %sign3A_126 : i32
    %ne3A_128 = vector.broadcast %sign3A_127 : i32 to vector<1x25200xi32>
    %ne3A_129 = arith.cmpi ne, %sign3A_120, %ne3A_128 : vector<1x25200xi32>
    %rem3A_130 = vector.broadcast %jit3A_109 : i32 to vector<1x25200xi32>
    %rem3A_131 = arith.remsi %sub3A, %rem3A_130 : vector<1x25200xi32>
    %ne3A_132 = arith.constant 0 : i32
    %ne3A_133 = vector.broadcast %ne3A_132 : i32 to vector<1x25200xi32>
    %ne3A_134 = arith.cmpi ne, %rem3A_131, %ne3A_133 : vector<1x25200xi32>
    %and3A_135 = arith.andi %ne3A_129, %ne3A_134 : vector<1x25200xi1>
    %sub3A_136 = arith.constant 1 : i32
    %sub3A_137 = vector.broadcast %sub3A_136 : i32 to vector<1x25200xi32>
    %sub3A_138 = arith.subi %div3A_111, %sub3A_137 : vector<1x25200xi32>
    %select_n3A_139 = arith.select %and3A_135, %sub3A_138, %div3A_111 : vector<1x25200xi1>, vector<1x25200xi32>
    %jit3A_140 = arith.constant 20 : i32
    %eq3A = arith.constant 0 : i32
    %eq3A_141 = arith.cmpi eq, %jit3A_140, %eq3A : i32
    %jit3A_142 = arith.constant 1 : i32
    %select_n3A_143 = arith.select %eq3A_141, %jit3A_142, %jit3A_140 : i32
    %rem3A_144 = vector.broadcast %select_n3A_143 : i32 to vector<1x25200xi32>
    %rem3A_145 = arith.remsi %select_n3A_139, %rem3A_144 : vector<1x25200xi32>
    %ne3A_146 = arith.constant 0 : i32
    %ne3A_147 = vector.broadcast %ne3A_146 : i32 to vector<1x25200xi32>
    %ne3A_148 = arith.cmpi ne, %rem3A_145, %ne3A_147 : vector<1x25200xi32>
    %lt3A = arith.constant 0 : i32
    %lt3A_149 = vector.broadcast %lt3A : i32 to vector<1x25200xi32>
    %lt3A_150 = arith.cmpi slt, %rem3A_145, %lt3A_149 : vector<1x25200xi32>
    %lt3A_151 = arith.constant 0 : i32
    %lt3A_152 = arith.cmpi slt, %select_n3A_143, %lt3A_151 : i32
    %ne3A_153 = vector.broadcast %lt3A_152 : i1 to vector<1x25200xi1>
    %ne3A_154 = vector.broadcast %ne3A_153 : vector<1x25200xi1> to vector<1x25200xi1>
    %ne3A_155 = arith.xori %lt3A_150, %ne3A_154 : vector<1x25200xi1>
    %and3A_156 = arith.andi %ne3A_155, %ne3A_148 : vector<1x25200xi1>
    %add3A = vector.broadcast %select_n3A_143 : i32 to vector<1x25200xi32>
    %add3A_157 = arith.addi %rem3A_145, %add3A : vector<1x25200xi32>
    %select_n3A_158 = arith.select %and3A_156, %add3A_157, %rem3A_145 : vector<1x25200xi1>, vector<1x25200xi32>
    %jit3A_159 = arith.constant 40 : i32
    %eq3A_160 = arith.constant 0 : i32
    %eq3A_161 = arith.cmpi eq, %jit3A_159, %eq3A_160 : i32
    %jit3A_162 = arith.constant 1 : i32
    %select_n3A_163 = arith.select %eq3A_161, %jit3A_162, %jit3A_159 : i32
    %rem3A_164 = vector.broadcast %select_n3A_163 : i32 to vector<1x25200xi32>
    %rem3A_165 = arith.remsi %select_n3A_139, %rem3A_164 : vector<1x25200xi32>
    %ne3A_166 = arith.constant 0 : i32
    %ne3A_167 = vector.broadcast %ne3A_166 : i32 to vector<1x25200xi32>
    %ne3A_168 = arith.cmpi ne, %rem3A_165, %ne3A_167 : vector<1x25200xi32>
    %lt3A_169 = arith.constant 0 : i32
    %lt3A_170 = vector.broadcast %lt3A_169 : i32 to vector<1x25200xi32>
    %lt3A_171 = arith.cmpi slt, %rem3A_165, %lt3A_170 : vector<1x25200xi32>
    %lt3A_172 = arith.constant 0 : i32
    %lt3A_173 = arith.cmpi slt, %select_n3A_163, %lt3A_172 : i32
    %ne3A_174 = vector.broadcast %lt3A_173 : i1 to vector<1x25200xi1>
    %ne3A_175 = vector.broadcast %ne3A_174 : vector<1x25200xi1> to vector<1x25200xi1>
    %ne3A_176 = arith.xori %lt3A_171, %ne3A_175 : vector<1x25200xi1>
    %and3A_177 = arith.andi %ne3A_176, %ne3A_168 : vector<1x25200xi1>
    %add3A_178 = vector.broadcast %select_n3A_163 : i32 to vector<1x25200xi32>
    %add3A_179 = arith.addi %rem3A_165, %add3A_178 : vector<1x25200xi32>
    %select_n3A_180 = arith.select %and3A_177, %add3A_179, %rem3A_165 : vector<1x25200xi1>, vector<1x25200xi32>
    %jit3A_181 = arith.constant 80 : i32
    %eq3A_182 = arith.constant 0 : i32
    %eq3A_183 = arith.cmpi eq, %jit3A_181, %eq3A_182 : i32
    %jit3A_184 = arith.constant 1 : i32
    %select_n3A_185 = arith.select %eq3A_183, %jit3A_184, %jit3A_181 : i32
    %rem3A_186 = vector.broadcast %select_n3A_185 : i32 to vector<1x25200xi32>
    %rem3A_187 = arith.remsi %select_n3A_139, %rem3A_186 : vector<1x25200xi32>
    %ne3A_188 = arith.constant 0 : i32
    %ne3A_189 = vector.broadcast %ne3A_188 : i32 to vector<1x25200xi32>
    %ne3A_190 = arith.cmpi ne, %rem3A_187, %ne3A_189 : vector<1x25200xi32>
    %lt3A_191 = arith.constant 0 : i32
    %lt3A_192 = vector.broadcast %lt3A_191 : i32 to vector<1x25200xi32>
    %lt3A_193 = arith.cmpi slt, %rem3A_187, %lt3A_192 : vector<1x25200xi32>
    %lt3A_194 = arith.constant 0 : i32
    %lt3A_195 = arith.cmpi slt, %select_n3A_185, %lt3A_194 : i32
    %ne3A_196 = vector.broadcast %lt3A_195 : i1 to vector<1x25200xi1>
    %ne3A_197 = vector.broadcast %ne3A_196 : vector<1x25200xi1> to vector<1x25200xi1>
    %ne3A_198 = arith.xori %lt3A_193, %ne3A_197 : vector<1x25200xi1>
    %and3A_199 = arith.andi %ne3A_198, %ne3A_190 : vector<1x25200xi1>
    %add3A_200 = vector.broadcast %select_n3A_185 : i32 to vector<1x25200xi32>
    %add3A_201 = arith.addi %rem3A_187, %add3A_200 : vector<1x25200xi32>
    %select_n3A_202 = arith.select %and3A_199, %add3A_201, %rem3A_187 : vector<1x25200xi1>, vector<1x25200xi32>
    %select_n3A_203 = arith.select %ge3A_10, %select_n3A_180, %select_n3A_202 : vector<1x25200xi1>, vector<1x25200xi32>
    %select_n3A_204 = arith.select %ge3A_13, %select_n3A_158, %select_n3A_203 : vector<1x25200xi1>, vector<1x25200xi32>
    %mul3A = arith.constant 3 : i32
    %mul3A_205 = vector.broadcast %mul3A : i32 to vector<1x25200xi32>
    %mul3A_206 = arith.muli %select_n3A_139, %mul3A_205 : vector<1x25200xi32>
    %sub3A_207 = arith.subi %sub3A, %mul3A_206 : vector<1x25200xi32>
    %jit3A_208 = arith.constant 1.600000e+01 : f32
    %jit3A_209 = arith.constant 8.000000e+00 : f32
    %broadcast_in_dim3A_210 = vector.broadcast %jit3A_208 : f32 to vector<1x25200xf32>
    %broadcast_in_dim3A_211 = vector.broadcast %jit3A_209 : f32 to vector<1x25200xf32>
    %select_n3A_212 = arith.select %ge3A_10, %broadcast_in_dim3A_210, %broadcast_in_dim3A_211 : vector<1x25200xi1>, vector<1x25200xf32>
    %jit3A_213 = arith.constant 3.200000e+01 : f32
    %broadcast_in_dim3A_214 = vector.broadcast %jit3A_213 : f32 to vector<1x25200xf32>
    %select_n3A_215 = arith.select %ge3A_13, %broadcast_in_dim3A_214, %select_n3A_212 : vector<1x25200xi1>, vector<1x25200xf32>
    %eq3A_216 = arith.constant 0 : i32
    %eq3A_217 = vector.broadcast %eq3A_216 : i32 to vector<1x25200xi32>
    %eq3A_218 = arith.cmpi eq, %sub3A_207, %eq3A_217 : vector<1x25200xi32>
    %eq3A_219 = arith.constant 1 : i32
    %eq3A_220 = vector.broadcast %eq3A_219 : i32 to vector<1x25200xi32>
    %eq3A_221 = arith.cmpi eq, %sub3A_207, %eq3A_220 : vector<1x25200xi32>
    %jit3A_222 = arith.constant 1.560000e+02 : f32
    %jit3A_223 = arith.constant 3.730000e+02 : f32
    %broadcast_in_dim3A_224 = vector.broadcast %jit3A_222 : f32 to vector<1x25200xf32>
    %broadcast_in_dim3A_225 = vector.broadcast %jit3A_223 : f32 to vector<1x25200xf32>
    %select_n3A_226 = arith.select %eq3A_221, %broadcast_in_dim3A_224, %broadcast_in_dim3A_225 : vector<1x25200xi1>, vector<1x25200xf32>
    %jit3A_227 = arith.constant 1.160000e+02 : f32
    %broadcast_in_dim3A_228 = vector.broadcast %jit3A_227 : f32 to vector<1x25200xf32>
    %select_n3A_229 = arith.select %eq3A_218, %broadcast_in_dim3A_228, %select_n3A_226 : vector<1x25200xi1>, vector<1x25200xf32>
    %eq3A_230 = arith.constant 0 : i32
    %eq3A_231 = vector.broadcast %eq3A_230 : i32 to vector<1x25200xi32>
    %eq3A_232 = arith.cmpi eq, %sub3A_207, %eq3A_231 : vector<1x25200xi32>
    %eq3A_233 = arith.constant 1 : i32
    %eq3A_234 = vector.broadcast %eq3A_233 : i32 to vector<1x25200xi32>
    %eq3A_235 = arith.cmpi eq, %sub3A_207, %eq3A_234 : vector<1x25200xi32>
    %jit3A_236 = arith.constant 6.200000e+01 : f32
    %jit3A_237 = arith.constant 5.900000e+01 : f32
    %broadcast_in_dim3A_238 = vector.broadcast %jit3A_236 : f32 to vector<1x25200xf32>
    %broadcast_in_dim3A_239 = vector.broadcast %jit3A_237 : f32 to vector<1x25200xf32>
    %select_n3A_240 = arith.select %eq3A_235, %broadcast_in_dim3A_238, %broadcast_in_dim3A_239 : vector<1x25200xi1>, vector<1x25200xf32>
    %jit3A_241 = arith.constant 3.000000e+01 : f32
    %broadcast_in_dim3A_242 = vector.broadcast %jit3A_241 : f32 to vector<1x25200xf32>
    %select_n3A_243 = arith.select %eq3A_232, %broadcast_in_dim3A_242, %select_n3A_240 : vector<1x25200xi1>, vector<1x25200xf32>
    %eq3A_244 = arith.constant 0 : i32
    %eq3A_245 = vector.broadcast %eq3A_244 : i32 to vector<1x25200xi32>
    %eq3A_246 = arith.cmpi eq, %sub3A_207, %eq3A_245 : vector<1x25200xi32>
    %eq3A_247 = arith.constant 1 : i32
    %eq3A_248 = vector.broadcast %eq3A_247 : i32 to vector<1x25200xi32>
    %eq3A_249 = arith.cmpi eq, %sub3A_207, %eq3A_248 : vector<1x25200xi32>
    %jit3A_250 = arith.constant 1.600000e+01 : f32
    %jit3A_251 = arith.constant 3.300000e+01 : f32
    %broadcast_in_dim3A_252 = vector.broadcast %jit3A_250 : f32 to vector<1x25200xf32>
    %broadcast_in_dim3A_253 = vector.broadcast %jit3A_251 : f32 to vector<1x25200xf32>
    %select_n3A_254 = arith.select %eq3A_249, %broadcast_in_dim3A_252, %broadcast_in_dim3A_253 : vector<1x25200xi1>, vector<1x25200xf32>
    %jit3A_255 = arith.constant 1.000000e+01 : f32
    %broadcast_in_dim3A_256 = vector.broadcast %jit3A_255 : f32 to vector<1x25200xf32>
    %select_n3A_257 = arith.select %eq3A_246, %broadcast_in_dim3A_256, %select_n3A_254 : vector<1x25200xi1>, vector<1x25200xf32>
    %select_n3A_258 = arith.select %ge3A_10, %select_n3A_243, %select_n3A_257 : vector<1x25200xi1>, vector<1x25200xf32>
    %select_n3A_259 = arith.select %ge3A_13, %select_n3A_229, %select_n3A_258 : vector<1x25200xi1>, vector<1x25200xf32>
    %eq3A_260 = arith.constant 0 : i32
    %eq3A_261 = vector.broadcast %eq3A_260 : i32 to vector<1x25200xi32>
    %eq3A_262 = arith.cmpi eq, %sub3A_207, %eq3A_261 : vector<1x25200xi32>
    %eq3A_263 = arith.constant 1 : i32
    %eq3A_264 = vector.broadcast %eq3A_263 : i32 to vector<1x25200xi32>
    %eq3A_265 = arith.cmpi eq, %sub3A_207, %eq3A_264 : vector<1x25200xi32>
    %jit3A_266 = arith.constant 1.980000e+02 : f32
    %jit3A_267 = arith.constant 3.260000e+02 : f32
    %broadcast_in_dim3A_268 = vector.broadcast %jit3A_266 : f32 to vector<1x25200xf32>
    %broadcast_in_dim3A_269 = vector.broadcast %jit3A_267 : f32 to vector<1x25200xf32>
    %select_n3A_270 = arith.select %eq3A_265, %broadcast_in_dim3A_268, %broadcast_in_dim3A_269 : vector<1x25200xi1>, vector<1x25200xf32>
    %jit3A_271 = arith.constant 9.000000e+01 : f32
    %broadcast_in_dim3A_272 = vector.broadcast %jit3A_271 : f32 to vector<1x25200xf32>
    %select_n3A_273 = arith.select %eq3A_262, %broadcast_in_dim3A_272, %select_n3A_270 : vector<1x25200xi1>, vector<1x25200xf32>
    %eq3A_274 = arith.constant 0 : i32
    %eq3A_275 = vector.broadcast %eq3A_274 : i32 to vector<1x25200xi32>
    %eq3A_276 = arith.cmpi eq, %sub3A_207, %eq3A_275 : vector<1x25200xi32>
    %eq3A_277 = arith.constant 1 : i32
    %eq3A_278 = vector.broadcast %eq3A_277 : i32 to vector<1x25200xi32>
    %eq3A_279 = arith.cmpi eq, %sub3A_207, %eq3A_278 : vector<1x25200xi32>
    %jit3A_280 = arith.constant 4.500000e+01 : f32
    %jit3A_281 = arith.constant 1.190000e+02 : f32
    %broadcast_in_dim3A_282 = vector.broadcast %jit3A_280 : f32 to vector<1x25200xf32>
    %broadcast_in_dim3A_283 = vector.broadcast %jit3A_281 : f32 to vector<1x25200xf32>
    %select_n3A_284 = arith.select %eq3A_279, %broadcast_in_dim3A_282, %broadcast_in_dim3A_283 : vector<1x25200xi1>, vector<1x25200xf32>
    %jit3A_285 = arith.constant 6.100000e+01 : f32
    %broadcast_in_dim3A_286 = vector.broadcast %jit3A_285 : f32 to vector<1x25200xf32>
    %select_n3A_287 = arith.select %eq3A_276, %broadcast_in_dim3A_286, %select_n3A_284 : vector<1x25200xi1>, vector<1x25200xf32>
    %eq3A_288 = arith.constant 0 : i32
    %eq3A_289 = vector.broadcast %eq3A_288 : i32 to vector<1x25200xi32>
    %eq3A_290 = arith.cmpi eq, %sub3A_207, %eq3A_289 : vector<1x25200xi32>
    %eq3A_291 = arith.constant 1 : i32
    %eq3A_292 = vector.broadcast %eq3A_291 : i32 to vector<1x25200xi32>
    %eq3A_293 = arith.cmpi eq, %sub3A_207, %eq3A_292 : vector<1x25200xi32>
    %jit3A_294 = arith.constant 3.000000e+01 : f32
    %jit3A_295 = arith.constant 2.300000e+01 : f32
    %broadcast_in_dim3A_296 = vector.broadcast %jit3A_294 : f32 to vector<1x25200xf32>
    %broadcast_in_dim3A_297 = vector.broadcast %jit3A_295 : f32 to vector<1x25200xf32>
    %select_n3A_298 = arith.select %eq3A_293, %broadcast_in_dim3A_296, %broadcast_in_dim3A_297 : vector<1x25200xi1>, vector<1x25200xf32>
    %jit3A_299 = arith.constant 1.300000e+01 : f32
    %broadcast_in_dim3A_300 = vector.broadcast %jit3A_299 : f32 to vector<1x25200xf32>
    %select_n3A_301 = arith.select %eq3A_290, %broadcast_in_dim3A_300, %select_n3A_298 : vector<1x25200xi1>, vector<1x25200xf32>
    %select_n3A_302 = arith.select %ge3A_10, %select_n3A_287, %select_n3A_301 : vector<1x25200xi1>, vector<1x25200xf32>
    %select_n3A_303 = arith.select %ge3A_13, %select_n3A_273, %select_n3A_302 : vector<1x25200xi1>, vector<1x25200xf32>
    %slice3A = vector.extract_strided_slice %logistic3A_8 {offsets = [0, 0], sizes = [1, 25200], strides = [1, 1]} : vector<4x25200xf32> to vector<1x25200xf32>
    %mul3A_304 = arith.constant 2.000000e+00 : f32
    %mul3A_305 = vector.broadcast %mul3A_304 : f32 to vector<1x25200xf32>
    %mul3A_306 = arith.mulf %mul3A_305, %slice3A : vector<1x25200xf32>
    %sub3A_307 = arith.constant 5.000000e-01 : f32
    %sub3A_308 = vector.broadcast %sub3A_307 : f32 to vector<1x25200xf32>
    %sub3A_309 = arith.subf %mul3A_306, %sub3A_308 : vector<1x25200xf32>
    %convert_element_type3A = arith.sitofp %select_n3A_204 : vector<1x25200xi32> to vector<1x25200xf32>
    %add3A_310 = arith.addf %sub3A_309, %convert_element_type3A : vector<1x25200xf32>
    %mul3A_311 = arith.mulf %add3A_310, %select_n3A_215 : vector<1x25200xf32>
    %slice3A_312 = vector.extract_strided_slice %logistic3A_8 {offsets = [1, 0], sizes = [1, 25200], strides = [1, 1]} : vector<4x25200xf32> to vector<1x25200xf32>
    %mul3A_313 = arith.constant 2.000000e+00 : f32
    %mul3A_314 = vector.broadcast %mul3A_313 : f32 to vector<1x25200xf32>
    %mul3A_315 = arith.mulf %mul3A_314, %slice3A_312 : vector<1x25200xf32>
    %sub3A_316 = arith.constant 5.000000e-01 : f32
    %sub3A_317 = vector.broadcast %sub3A_316 : f32 to vector<1x25200xf32>
    %sub3A_318 = arith.subf %mul3A_315, %sub3A_317 : vector<1x25200xf32>
    %convert_element_type3A_319 = arith.sitofp %select_n3A_108 : vector<1x25200xi32> to vector<1x25200xf32>
    %add3A_320 = arith.addf %sub3A_318, %convert_element_type3A_319 : vector<1x25200xf32>
    %mul3A_321 = arith.mulf %add3A_320, %select_n3A_215 : vector<1x25200xf32>
    %slice3A_322 = vector.extract_strided_slice %logistic3A_8 {offsets = [2, 0], sizes = [1, 25200], strides = [1, 1]} : vector<4x25200xf32> to vector<1x25200xf32>
    %slice3A_323 = vector.extract_strided_slice %logistic3A_8 {offsets = [2, 0], sizes = [1, 25200], strides = [1, 1]} : vector<4x25200xf32> to vector<1x25200xf32>
    %mul3A_324 = arith.mulf %slice3A_322, %slice3A_323 : vector<1x25200xf32>
    %mul3A_325 = arith.constant 4.000000e+00 : f32
    %mul3A_326 = vector.broadcast %mul3A_325 : f32 to vector<1x25200xf32>
    %mul3A_327 = arith.mulf %mul3A_326, %mul3A_324 : vector<1x25200xf32>
    %mul3A_328 = arith.mulf %mul3A_327, %select_n3A_259 : vector<1x25200xf32>
    %slice3A_329 = vector.extract_strided_slice %logistic3A_8 {offsets = [3, 0], sizes = [1, 25200], strides = [1, 1]} : vector<4x25200xf32> to vector<1x25200xf32>
    %slice3A_330 = vector.extract_strided_slice %logistic3A_8 {offsets = [3, 0], sizes = [1, 25200], strides = [1, 1]} : vector<4x25200xf32> to vector<1x25200xf32>
    %mul3A_331 = arith.mulf %slice3A_329, %slice3A_330 : vector<1x25200xf32>
    %mul3A_332 = arith.constant 4.000000e+00 : f32
    %mul3A_333 = vector.broadcast %mul3A_332 : f32 to vector<1x25200xf32>
    %mul3A_334 = arith.mulf %mul3A_333, %mul3A_331 : vector<1x25200xf32>
    %mul3A_335 = arith.mulf %mul3A_334, %select_n3A_303 : vector<1x25200xf32>
    %mul3A_336 = arith.constant 5.000000e-01 : f32
    %mul3A_337 = vector.broadcast %mul3A_336 : f32 to vector<1x25200xf32>
    %mul3A_338 = arith.mulf %mul3A_328, %mul3A_337 : vector<1x25200xf32>
    %sub3A_339 = arith.subf %mul3A_311, %mul3A_338 : vector<1x25200xf32>
    %jit3A_340 = arith.constant 0.000000e+00 : f32
    %jit3A_341 = arith.constant 6.400000e+02 : f32
    %max3A = vector.broadcast %jit3A_340 : f32 to vector<1x25200xf32>
    %max3A_342 = arith.maximumf %max3A, %sub3A_339 : vector<1x25200xf32>
    %min3A = vector.broadcast %jit3A_341 : f32 to vector<1x25200xf32>
    %min3A_343 = arith.minimumf %min3A, %max3A_342 : vector<1x25200xf32>
    %swap3A = arith.constant 0 : index
    %swap3A_344 = arith.constant 0 : index
    %swap3A_345 = arith.constant 0 : index
    %swap3A_346 = vector.load %arg2[%swap3A, %swap3A_344, %swap3A_345] : memref<1x4x25200xf32, #tpu.memory_space<vmem>>, vector<1x1x25200xf32>
    %swap3A_347 = vector.shape_cast %swap3A_346 : vector<1x1x25200xf32> to vector<1x25200xf32>
    %swap3A_348 = vector.shape_cast %min3A_343 : vector<1x25200xf32> to vector<1x1x25200xf32>
    tpu.vector_store %arg2[%swap3A, %swap3A_344, %swap3A_345], %swap3A_348 {strides = array<i32>} : memref<1x4x25200xf32, #tpu.memory_space<vmem>>, vector<1x1x25200xf32>,
    %mul3A_349 = arith.constant 5.000000e-01 : f32
    %mul3A_350 = vector.broadcast %mul3A_349 : f32 to vector<1x25200xf32>
    %mul3A_351 = arith.mulf %mul3A_335, %mul3A_350 : vector<1x25200xf32>
    %sub3A_352 = arith.subf %mul3A_321, %mul3A_351 : vector<1x25200xf32>
    %jit3A_353 = arith.constant 0.000000e+00 : f32
    %jit3A_354 = arith.constant 6.400000e+02 : f32
    %max3A_355 = vector.broadcast %jit3A_353 : f32 to vector<1x25200xf32>
    %max3A_356 = arith.maximumf %max3A_355, %sub3A_352 : vector<1x25200xf32>
    %min3A_357 = vector.broadcast %jit3A_354 : f32 to vector<1x25200xf32>
    %min3A_358 = arith.minimumf %min3A_357, %max3A_356 : vector<1x25200xf32>
    %swap3A_359 = arith.constant 0 : index
    %swap3A_360 = arith.constant 1 : index
    %swap3A_361 = arith.constant 0 : index
    %swap3A_362 = vector.load %arg2[%swap3A_359, %swap3A_360, %swap3A_361] : memref<1x4x25200xf32, #tpu.memory_space<vmem>>, vector<1x1x25200xf32>
    %swap3A_363 = vector.shape_cast %swap3A_362 : vector<1x1x25200xf32> to vector<1x25200xf32>
    %swap3A_364 = vector.shape_cast %min3A_358 : vector<1x25200xf32> to vector<1x1x25200xf32>
    tpu.vector_store %arg2[%swap3A_359, %swap3A_360, %swap3A_361], %swap3A_364 {strides = array<i32>} : memref<1x4x25200xf32, #tpu.memory_space<vmem>>, vector<1x1x25200xf32>,
    %mul3A_365 = arith.constant 5.000000e-01 : f32
    %mul3A_366 = vector.broadcast %mul3A_365 : f32 to vector<1x25200xf32>
    %mul3A_367 = arith.mulf %mul3A_328, %mul3A_366 : vector<1x25200xf32>
    %add3A_368 = arith.addf %mul3A_311, %mul3A_367 : vector<1x25200xf32>
    %jit3A_369 = arith.constant 0.000000e+00 : f32
    %jit3A_370 = arith.constant 6.400000e+02 : f32
    %max3A_371 = vector.broadcast %jit3A_369 : f32 to vector<1x25200xf32>
    %max3A_372 = arith.maximumf %max3A_371, %add3A_368 : vector<1x25200xf32>
    %min3A_373 = vector.broadcast %jit3A_370 : f32 to vector<1x25200xf32>
    %min3A_374 = arith.minimumf %min3A_373, %max3A_372 : vector<1x25200xf32>
    %swap3A_375 = arith.constant 0 : index
    %swap3A_376 = arith.constant 2 : index
    %swap3A_377 = arith.constant 0 : index
    %swap3A_378 = vector.load %arg2[%swap3A_375, %swap3A_376, %swap3A_377] : memref<1x4x25200xf32, #tpu.memory_space<vmem>>, vector<1x1x25200xf32>
    %swap3A_379 = vector.shape_cast %swap3A_378 : vector<1x1x25200xf32> to vector<1x25200xf32>
    %swap3A_380 = vector.shape_cast %min3A_374 : vector<1x25200xf32> to vector<1x1x25200xf32>
    tpu.vector_store %arg2[%swap3A_375, %swap3A_376, %swap3A_377], %swap3A_380 {strides = array<i32>} : memref<1x4x25200xf32, #tpu.memory_space<vmem>>, vector<1x1x25200xf32>,
    %mul3A_381 = arith.constant 5.000000e-01 : f32
    %mul3A_382 = vector.broadcast %mul3A_381 : f32 to vector<1x25200xf32>
    %mul3A_383 = arith.mulf %mul3A_335, %mul3A_382 : vector<1x25200xf32>
    %add3A_384 = arith.addf %mul3A_321, %mul3A_383 : vector<1x25200xf32>
    %jit3A_385 = arith.constant 0.000000e+00 : f32
    %jit3A_386 = arith.constant 6.400000e+02 : f32
    %max3A_387 = vector.broadcast %jit3A_385 : f32 to vector<1x25200xf32>
    %max3A_388 = arith.maximumf %max3A_387, %add3A_384 : vector<1x25200xf32>
    %min3A_389 = vector.broadcast %jit3A_386 : f32 to vector<1x25200xf32>
    %min3A_390 = arith.minimumf %min3A_389, %max3A_388 : vector<1x25200xf32>
    %swap3A_391 = arith.constant 0 : index
    %swap3A_392 = arith.constant 3 : index
    %swap3A_393 = arith.constant 0 : index
    %swap3A_394 = vector.load %arg2[%swap3A_391, %swap3A_392, %swap3A_393] : memref<1x4x25200xf32, #tpu.memory_space<vmem>>, vector<1x1x25200xf32>
    %swap3A_395 = vector.shape_cast %swap3A_394 : vector<1x1x25200xf32> to vector<1x25200xf32>
    %swap3A_396 = vector.shape_cast %min3A_390 : vector<1x25200xf32> to vector<1x1x25200xf32>
    tpu.vector_store %arg2[%swap3A_391, %swap3A_392, %swap3A_393], %swap3A_396 {strides = array<i32>} : memref<1x4x25200xf32, #tpu.memory_space<vmem>>, vector<1x1x25200xf32>,
    return
  }
  func.func @transform_0(%arg0: i32) -> (i32, i32, i32) {
    %c0_i32 = arith.constant 0 : i32
    %c0_i32_0 = arith.constant 0 : i32
    %c0_i32_1 = arith.constant 0 : i32
    return %arg0, %c0_i32, %c0_i32_0 : i32, i32, i32
  }
  func.func @transform_1(%arg0: i32) -> (i32, i32, i32) {
    %c0_i32 = arith.constant 0 : i32
    %c0_i32_0 = arith.constant 0 : i32
    %c0_i32_1 = arith.constant 0 : i32
    return %arg0, %c0_i32, %c0_i32_0 : i32, i32, i32
  }
}

module attributes {stable_mosaic.version = 14 : i64} {
  func.func @_nms_kernel(%arg0: i32, %arg1: memref<8x1024x8xf32, #tpu.memory_space<vmem>>, %arg2: memref<8x6x8x128xf32, #tpu.memory_space<vmem>>, %arg3: memref<8x8x128xf32, #tpu.memory_space<vmem>>) attributes {dimension_semantics = [#tpu.dimension_semantics<arbitrary>], iteration_bounds = array<i64: 1>, scalar_prefetch = 0 : i64, scratch_operands = 0 : i64, tpu.core_type = #tpu.core_type<tc>, window_params = [{pipeline_mode = #tpu.pipeline_mode<synchronous>, transform_indices = @transform_0, window_bounds = array<i64: 8, 1024, 8>}, {pipeline_mode = #tpu.pipeline_mode<synchronous>, transform_indices = @transform_1, window_bounds = array<i64: 8, 6, 8, 128>}, {pipeline_mode = #tpu.pipeline_mode<synchronous>, transform_indices = @transform_2, window_bounds = array<i64: 8, 8, 128>}]} {
    %get3A = arith.constant 0 : index
    %get3A_0 = arith.constant 0 : index
    %get3A_1 = arith.constant 0 : index
    %get3A_2 = arith.constant 0 : index
    %get3A_3 = vector.load %arg2[%get3A, %get3A_0, %get3A_1, %get3A_2] : memref<8x6x8x128xf32, #tpu.memory_space<vmem>>, vector<8x1x8x128xf32>
    %get3A_4 = vector.shape_cast %get3A_3 : vector<8x1x8x128xf32> to vector<8x8x128xf32>
    %get3A_5 = arith.constant 0 : index
    %get3A_6 = arith.constant 1 : index
    %get3A_7 = arith.constant 0 : index
    %get3A_8 = arith.constant 0 : index
    %get3A_9 = vector.load %arg2[%get3A_5, %get3A_6, %get3A_7, %get3A_8] : memref<8x6x8x128xf32, #tpu.memory_space<vmem>>, vector<8x1x8x128xf32>
    %get3A_10 = vector.shape_cast %get3A_9 : vector<8x1x8x128xf32> to vector<8x8x128xf32>
    %get3A_11 = arith.constant 0 : index
    %get3A_12 = arith.constant 2 : index
    %get3A_13 = arith.constant 0 : index
    %get3A_14 = arith.constant 0 : index
    %get3A_15 = vector.load %arg2[%get3A_11, %get3A_12, %get3A_13, %get3A_14] : memref<8x6x8x128xf32, #tpu.memory_space<vmem>>, vector<8x1x8x128xf32>
    %get3A_16 = vector.shape_cast %get3A_15 : vector<8x1x8x128xf32> to vector<8x8x128xf32>
    %get3A_17 = arith.constant 0 : index
    %get3A_18 = arith.constant 3 : index
    %get3A_19 = arith.constant 0 : index
    %get3A_20 = arith.constant 0 : index
    %get3A_21 = vector.load %arg2[%get3A_17, %get3A_18, %get3A_19, %get3A_20] : memref<8x6x8x128xf32, #tpu.memory_space<vmem>>, vector<8x1x8x128xf32>
    %get3A_22 = vector.shape_cast %get3A_21 : vector<8x1x8x128xf32> to vector<8x8x128xf32>
    %get3A_23 = arith.constant 0 : index
    %get3A_24 = arith.constant 4 : index
    %get3A_25 = arith.constant 0 : index
    %get3A_26 = arith.constant 0 : index
    %get3A_27 = vector.load %arg2[%get3A_23, %get3A_24, %get3A_25, %get3A_26] : memref<8x6x8x128xf32, #tpu.memory_space<vmem>>, vector<8x1x8x128xf32>
    %get3A_28 = vector.shape_cast %get3A_27 : vector<8x1x8x128xf32> to vector<8x8x128xf32>
    %get3A_29 = arith.constant 0 : index
    %get3A_30 = arith.constant 5 : index
    %get3A_31 = arith.constant 0 : index
    %get3A_32 = arith.constant 0 : index
    %get3A_33 = vector.load %arg2[%get3A_29, %get3A_30, %get3A_31, %get3A_32] : memref<8x6x8x128xf32, #tpu.memory_space<vmem>>, vector<8x1x8x128xf32>
    %get3A_34 = vector.shape_cast %get3A_33 : vector<8x1x8x128xf32> to vector<8x8x128xf32>
    %iota3A = tpu.iota {dimensions = array<i32: 1>} : vector<8x8x128xi32>
    %iota3A_35 = tpu.iota {dimensions = array<i32: 2>} : vector<8x8x128xi32>
    %mul3A = arith.constant 128 : i32
    %mul3A_36 = vector.broadcast %mul3A : i32 to vector<8x8x128xi32>
    %mul3A_37 = arith.muli %iota3A, %mul3A_36 : vector<8x8x128xi32>
    %add3A = arith.addi %mul3A_37, %iota3A_35 : vector<8x8x128xi32>
    %gt3A = arith.constant 2.500000e-01 : f32
    %gt3A_38 = vector.broadcast %gt3A : f32 to vector<8x8x128xf32>
    %gt3A_39 = arith.cmpf ogt, %get3A_34, %gt3A_38 : vector<8x8x128xf32>
    %jit3A = arith.constant 1.000000e+00 : f32
    %jit3A_40 = arith.constant 0.000000e+00 : f32
    %broadcast_in_dim3A = vector.broadcast %jit3A : f32 to vector<8x8x128xf32>
    %broadcast_in_dim3A_41 = vector.broadcast %jit3A_40 : f32 to vector<8x8x128xf32>
    %select_n3A = arith.select %gt3A_39, %broadcast_in_dim3A, %broadcast_in_dim3A_41 : vector<8x8x128xi1>, vector<8x8x128xf32>
    %scan3A = arith.constant 0 : i32
    %scan3A_42 = arith.constant 1000 : i32
    %scan3A_43 = arith.addi %scan3A, %scan3A_42 : i32
    %scan3A_44 = arith.constant 1 : i32
    %scan3A_45 = scf.for %scan3A_56 = %scan3A to %scan3A_43 step %scan3A_44 iter_args(%scan3A_57 = %select_n3A) -> (vector<8x8x128xf32>)  : i32 {
      %get3A_58 = arith.constant 0 : index
      %get3A_59 = arith.index_cast %scan3A_56 : i32 to index
      %get3A_60 = arith.constant 0 : index
      %get3A_61 = vector.load %arg1[%get3A_58, %get3A_59, %get3A_60] : memref<8x1024x8xf32, #tpu.memory_space<vmem>>, vector<8x1x8xf32>
      %slice3A = vector.extract_strided_slice %get3A_61 {offsets = [0, 0, 0], sizes = [8, 1, 1], strides = [1, 1, 1]} : vector<8x1x8xf32> to vector<8x1x1xf32>
      %slice3A_62 = vector.extract_strided_slice %get3A_61 {offsets = [0, 0, 1], sizes = [8, 1, 1], strides = [1, 1, 1]} : vector<8x1x8xf32> to vector<8x1x1xf32>
      %slice3A_63 = vector.extract_strided_slice %get3A_61 {offsets = [0, 0, 2], sizes = [8, 1, 1], strides = [1, 1, 1]} : vector<8x1x8xf32> to vector<8x1x1xf32>
      %slice3A_64 = vector.extract_strided_slice %get3A_61 {offsets = [0, 0, 3], sizes = [8, 1, 1], strides = [1, 1, 1]} : vector<8x1x8xf32> to vector<8x1x1xf32>
      %slice3A_65 = vector.extract_strided_slice %get3A_61 {offsets = [0, 0, 4], sizes = [8, 1, 1], strides = [1, 1, 1]} : vector<8x1x8xf32> to vector<8x1x1xf32>
      %max3A = vector.broadcast %slice3A : vector<8x1x1xf32> to vector<8x8x128xf32>
      %max3A_66 = arith.maximumf %max3A, %get3A_4 : vector<8x8x128xf32>
      %max3A_67 = vector.broadcast %slice3A_62 : vector<8x1x1xf32> to vector<8x8x128xf32>
      %max3A_68 = arith.maximumf %max3A_67, %get3A_10 : vector<8x8x128xf32>
      %min3A = vector.broadcast %slice3A_63 : vector<8x1x1xf32> to vector<8x8x128xf32>
      %min3A_69 = arith.minimumf %min3A, %get3A_16 : vector<8x8x128xf32>
      %min3A_70 = vector.broadcast %slice3A_64 : vector<8x1x1xf32> to vector<8x8x128xf32>
      %min3A_71 = arith.minimumf %min3A_70, %get3A_22 : vector<8x8x128xf32>
      %sub3A = arith.subf %min3A_69, %max3A_66 : vector<8x8x128xf32>
      %jit3A_72 = arith.constant 0.000000e+00 : f32
      %max3A_73 = vector.broadcast %jit3A_72 : f32 to vector<8x8x128xf32>
      %max3A_74 = arith.maximumf %max3A_73, %sub3A : vector<8x8x128xf32>
      %sub3A_75 = arith.subf %min3A_71, %max3A_68 : vector<8x8x128xf32>
      %jit3A_76 = arith.constant 0.000000e+00 : f32
      %max3A_77 = vector.broadcast %jit3A_76 : f32 to vector<8x8x128xf32>
      %max3A_78 = arith.maximumf %max3A_77, %sub3A_75 : vector<8x8x128xf32>
      %mul3A_79 = arith.mulf %max3A_74, %max3A_78 : vector<8x8x128xf32>
      %add3A_80 = vector.broadcast %slice3A_65 : vector<8x1x1xf32> to vector<8x8x128xf32>
      %add3A_81 = arith.addf %add3A_80, %get3A_28 : vector<8x8x128xf32>
      %sub3A_82 = arith.subf %add3A_81, %mul3A_79 : vector<8x8x128xf32>
      %add3A_83 = arith.constant 1.000000e-07 : f32
      %add3A_84 = vector.broadcast %add3A_83 : f32 to vector<8x8x128xf32>
      %add3A_85 = arith.addf %sub3A_82, %add3A_84 : vector<8x8x128xf32>
      %div3A = arith.divf %mul3A_79, %add3A_85 : vector<8x8x128xf32>
      %eq3A = vector.broadcast %scan3A_56 : i32 to vector<8x8x128xi32>
      %eq3A_86 = arith.cmpi eq, %add3A, %eq3A : vector<8x8x128xi32>
      %jit3A_87 = arith.constant 0.000000e+00 : f32
      %broadcast_in_dim3A_88 = vector.broadcast %jit3A_87 : f32 to vector<8x8x128xf32>
      %select_n3A_89 = arith.select %eq3A_86, %scan3A_57, %broadcast_in_dim3A_88 : vector<8x8x128xi1>, vector<8x8x128xf32>
      %reduce_max3A = arith.constant dense<0xFF800000> : vector<8x8xf32>
      %reduce_max3A_90 = vector.multi_reduction <maximumf>, %select_n3A_89, %reduce_max3A [2] : vector<8x8x128xf32> to vector<8x8xf32>
      %broadcast_in_dim3A_91 = vector.shape_cast %reduce_max3A_90 : vector<8x8xf32> to vector<8x8x1xf32>
      %reduce_max3A_92 = arith.constant dense<0xFF800000> : vector<8x1xf32>
      %reduce_max3A_93 = vector.multi_reduction <maximumf>, %broadcast_in_dim3A_91, %reduce_max3A_92 [1] : vector<8x8x1xf32> to vector<8x1xf32>
      %broadcast_in_dim3A_94 = vector.shape_cast %reduce_max3A_93 : vector<8x1xf32> to vector<8x1x1xf32>
      %gt3A_95 = arith.constant 4.500000e-01 : f32
      %gt3A_96 = vector.broadcast %gt3A_95 : f32 to vector<8x8x128xf32>
      %gt3A_97 = arith.cmpf ogt, %div3A, %gt3A_96 : vector<8x8x128xf32>
      %gt3A_98 = vector.broadcast %scan3A_56 : i32 to vector<8x8x128xi32>
      %gt3A_99 = arith.cmpi sgt, %add3A, %gt3A_98 : vector<8x8x128xi32>
      %and3A = arith.andi %gt3A_97, %gt3A_99 : vector<8x8x128xi1>
      %jit3A_100 = arith.constant 1.000000e+00 : f32
      %jit3A_101 = arith.constant 0.000000e+00 : f32
      %broadcast_in_dim3A_102 = vector.broadcast %jit3A_100 : f32 to vector<8x8x128xf32>
      %broadcast_in_dim3A_103 = vector.broadcast %jit3A_101 : f32 to vector<8x8x128xf32>
      %select_n3A_104 = arith.select %and3A, %broadcast_in_dim3A_102, %broadcast_in_dim3A_103 : vector<8x8x128xi1>, vector<8x8x128xf32>
      %mul3A_105 = vector.broadcast %broadcast_in_dim3A_94 : vector<8x1x1xf32> to vector<8x8x128xf32>
      %mul3A_106 = arith.mulf %select_n3A_104, %mul3A_105 : vector<8x8x128xf32>
      %sub3A_107 = arith.constant 1.000000e+00 : f32
      %sub3A_108 = vector.broadcast %sub3A_107 : f32 to vector<8x8x128xf32>
      %sub3A_109 = arith.subf %sub3A_108, %mul3A_106 : vector<8x8x128xf32>
      %mul3A_110 = arith.mulf %scan3A_57, %sub3A_109 : vector<8x8x128xf32>
      scf.yield %mul3A_110 : vector<8x8x128xf32>
    }
    %scan3A_46 = arith.constant 1000 : i32
    %gt3A_47 = arith.constant 0.000000e+00 : f32
    %gt3A_48 = vector.broadcast %gt3A_47 : f32 to vector<8x8x128xf32>
    %gt3A_49 = arith.cmpf ogt, %scan3A_45, %gt3A_48 : vector<8x8x128xf32>
    %jit3A_50 = arith.constant -1.000000e+00 : f32
    %broadcast_in_dim3A_51 = vector.broadcast %jit3A_50 : f32 to vector<8x8x128xf32>
    %select_n3A_52 = arith.select %gt3A_49, %get3A_34, %broadcast_in_dim3A_51 : vector<8x8x128xi1>, vector<8x8x128xf32>
    %swap3A = arith.constant 0 : index
    %swap3A_53 = arith.constant 0 : index
    %swap3A_54 = arith.constant 0 : index
    %swap3A_55 = vector.load %arg3[%swap3A, %swap3A_53, %swap3A_54] : memref<8x8x128xf32, #tpu.memory_space<vmem>>, vector<8x8x128xf32>
    tpu.vector_store %arg3[%swap3A, %swap3A_53, %swap3A_54], %select_n3A_52 {strides = array<i32>} : memref<8x8x128xf32, #tpu.memory_space<vmem>>, vector<8x8x128xf32>,
    return
  }
  func.func @transform_0(%arg0: i32) -> (i32, i32, i32) {
    %c0_i32 = arith.constant 0 : i32
    %c0_i32_0 = arith.constant 0 : i32
    %c0_i32_1 = arith.constant 0 : i32
    %c0_i32_2 = arith.constant 0 : i32
    return %c0_i32, %c0_i32_0, %c0_i32_1 : i32, i32, i32
  }
  func.func @transform_1(%arg0: i32) -> (i32, i32, i32, i32) {
    %c0_i32 = arith.constant 0 : i32
    %c0_i32_0 = arith.constant 0 : i32
    %c0_i32_1 = arith.constant 0 : i32
    %c0_i32_2 = arith.constant 0 : i32
    %c0_i32_3 = arith.constant 0 : i32
    return %c0_i32, %c0_i32_0, %c0_i32_1, %c0_i32_2 : i32, i32, i32, i32
  }
  func.func @transform_2(%arg0: i32) -> (i32, i32, i32) {
    %c0_i32 = arith.constant 0 : i32
    %c0_i32_0 = arith.constant 0 : i32
    %c0_i32_1 = arith.constant 0 : i32
    %c0_i32_2 = arith.constant 0 : i32
    return %c0_i32, %c0_i32_0, %c0_i32_1 : i32, i32, i32
  }
}

</mosaic_0001>

<sc_bundles>
// kernel: gather_offload_async_start.1
scs
__scs_entry_jumppad:
0x0: {  	(pc) =	sbr.rel $0x88, $3  }
0x1: {  	(tag) =	ssettag $0x0;
	lr =	simm.s32 $0x1  }
0x2: {  	[smem:$0x3F9D] =	sst lr;
	_ =	strace $0xD0000000  }
0x3: {  	_ = 	snop  }
0x4: {  	_ = 	snop  }
0x5: {  	_ = 	snop  }
0x6: {  	_ = 	snop  }
0x7: {  	_ = 	snop  }
__scs_overlays_trampoline_lowered:
0x8: {  	[smem:$0x3FAC] =	sst s0  }
0x9: {  	[smem:$0x3FAD] =	sst s1  }
0xa: {  	[smem:$0x3FAE] =	sst s2  }
0xb: {  	[smem:$0x3FAF] =	sst s3  }
0xc: {  	[smem:$0x3FB0] =	sst s4  }
0xd: {  	[smem:$0x3FB1] =	sst s5  }
0xe: {  	[smem:$0x3FB2] =	sst s6  }
0xf: {  	[smem:$0x3FB3] =	sst s7  }
0x10: {  	[smem:$0x3FB4] =	sst s8  }
0x11: {  	[smem:$0x3FB5] =	sst s9;
	s0 =	simm.s32 @!p0 $0x0  }
0x12: {  	s1 =	sld [smem:$0x3F9B];
	s0 =	simm.s32 @p0 $0x1  }
0x13: {  	[smem:$0x3FB6] =	sst s0;
	s0 =	simm.s32 @!p1 $0x0  }
0x14: {  	s2 =	sld [smem:$0x3F9A];
	s0 =	simm.s32 @p1 $0x1  }
0x15: {  	[smem:$0x3FB7] =	sst s0;
	s0 =	simm.s32 @!p2 $0x0  }
0x16: {  	s3 =	sld [smem:$0x3FDB];
	s0 =	simm.s32 @p2 $0x1  }
0x17: {  	s4 =	simm.s32 $0x1BF5;
	[smem:$0x3FB9] =	sst s0  }
0x18: {  	s0 =	sld [smem:$0x3F9C];
	_ =	swait.ge [sflag:s4], $0x0  }
0x19: {  	s7 =	sld [smem:$0x3F9D]  }
0x1a: {  	s8 =	sadd.s32 $0xFFFFE003, lr  }
0x1b: {  	s9 =	sadd.s32 $0xFFFFFEF7, lr;
	s5 =	simm.s32 $0xFFFFFFFF;
	p2 =	slt.u32 s8, $0xFFFFF086  }
0x1c: {  	p1 =	slt.u32 s9, $0xF7A;
	s5 =	simm.s32 @!p2 $0x0  }
0x1d: {  	s5 =	simm.s32 @p1 $0x1;
	p0 =	seq.s32 s7, s2  }
0x1e: {  	s7 =	smul.u32 @!p0 $0xF7A, s2;
	p2 =	seq.s32 @!p0 s5, $0x0  }
0x1f: {  	s9 =	smul.u32 $0xF7A, s1;
	s8 =	simm.s32 @!p0 $0x1BF5;
	p2 =	por !p2, p0  }
0x20: {  	[sflag:s8] =	ssyncset.s32 @!p0 $0xFFFFF086;
	s6 =	sadd.s32 @!p0 s3, s7;
	s7 =	simm.s32 @!p0 $0x108  }
0x21: {  	s3 =	sadd.s32 s3, s9;
	s6 =	sadd.s32 @!p0 $0x88, s6;
	s7 =	simm.s32 @p2 $0x1082  }
0x22: {  	[simem:s7], [sflag:s8] =	dma.local @!p0 [hbm:s6], $0xF7A  }
0x23: {  	s9 =	sor.u32 $0xD0000000, s2;
	s6 =	simm.s32 $0x108;
	_ =	swait.ge @!p0 [sflag:s8], $0x0  }
0x24: {  	s3 =	sadd.s32 $0x88, s3;
	s6 =	simm.s32 @!p1 $0x1082;
	[sflag:s4] =	ssyncset.s32 $0xFFFFF086  }
0x25: {  	[simem:s6], [sflag:s4] =	dma.local [hbm:s3], $0xF7A  }
0x26: {  	[smem:$0x3F9D] =	sst s1;
	(tag) =	ssettag s2;
	_ =	strace s9  }
0x27: {  	s1 =	sld [smem:$0x3FAD]  }
0x28: {  	s2 =	sld [smem:$0x3FAE]  }
0x29: {  	s4 =	sld [smem:$0x3FB0]  }
0x2a: {  	p0 =	seq.s32 s5, $0x0;
	s5 =	sld [smem:$0x3FB1]  }
0x2b: {  	s6 =	sld [smem:$0x3FB2]  }
0x2c: {  	s7 =	sld [smem:$0x3FB3]  }
0x2d: {  	s3 =	simm.s32 $0x108;
	s8 =	sld [smem:$0x3FB4]  }
0x2e: {  	s3 =	simm.s32 @!p0 $0x1082;
	s9 =	sld [smem:$0x3FB5]  }
0x2f: {  	lr =	sadd.s32 s0, s3;
	s0 =	sld [smem:$0x3FAC]  }
0x30: {  	s3 =	sld [smem:$0x3FAF]  }
0x31: {  	[smem:$0x3FB8] =	sst s10  }
0x32: {  	s10 =	sld [smem:$0x3FB6];
	_ =	sdelay $0x3  }
0x33: {  	p0 =	seq.s32 s10, $0x1;
	s10 =	sld [smem:$0x3FB8];
	_ =	sdelay $0x3  }
0x34: {  	[smem:$0x3FB8] =	sst s10  }
0x35: {  	s10 =	sld [smem:$0x3FB7];
	_ =	sdelay $0x3  }
0x36: {  	p1 =	seq.s32 s10, $0x1;
	s10 =	sld [smem:$0x3FB8];
	_ =	sdelay $0x3  }
0x37: {  	[smem:$0x3FB8] =	sst s10  }
0x38: {  	s10 =	sld [smem:$0x3FB9]  }
0x39: {  	_ = 	snop;
	(pc) =	sbr.ind lr, $3  }
0x3a: {  	_ = 	snop  }
0x3b: {  	_ = 	snop  }
0x3c: {  	p2 =	seq.s32 s10, $0x1;
	s10 =	sld [smem:$0x3FB8]  }
0x3d: {  	_ =	shalt  }
0x3e: {  	_ =	shalt  }
0x3f: {  	_ =	shalt  }
0x40: {  	_ =	shalt  }
0x41: {  	_ =	shalt  }
0x42: {  	_ =	shalt  }
0x43: {  	_ =	shalt  }
0x44: {  	_ =	shalt  }
0x45: {  	_ =	shalt  }
0x46: {  	_ =	shalt  }
0x47: {  	_ =	shalt  }
0x48: {  	_ =	shalt  }
0x49: {  	_ =	shalt  }
0x4a: {  	_ =	shalt  }
0x4b: {  	_ =	shalt  }
0x4c: {  	_ =	shalt  }
0x4d: {  	_ =	shalt  }
0x4e: {  	_ =	shalt  }
0x4f: {  	_ =	shalt  }
0x50: {  	_ =	shalt  }
0x51: {  	_ =	shalt  }
0x52: {  	_ =	shalt  }
0x53: {  	_ =	shalt  }
0x54: {  	_ =	shalt  }
0x55: {  	_ =	shalt  }
0x56: {  	_ =	shalt  }
0x57: {  	_ =	shalt  }
0x58: {  	_ =	shalt  }
0x59: {  	_ =	shalt  }
0x5a: {  	_ =	shalt  }
0x5b: {  	_ =	shalt  }
0x5c: {  	_ =	shalt  }
0x5d: {  	_ =	shalt  }
0x5e: {  	_ =	shalt  }
0x5f: {  	_ =	shalt  }
0x60: {  	_ =	shalt  }
0x61: {  	_ =	shalt  }
0x62: {  	_ =	shalt  }
0x63: {  	_ =	shalt  }
0x64: {  	_ =	shalt  }
0x65: {  	_ =	shalt  }
0x66: {  	_ =	shalt  }
0x67: {  	_ =	shalt  }
0x68: {  	_ =	shalt  }
0x69: {  	_ =	shalt  }
0x6a: {  	_ =	shalt  }
0x6b: {  	_ =	shalt  }
0x6c: {  	_ =	shalt  }
0x6d: {  	_ =	shalt  }
0x6e: {  	_ =	shalt  }
0x6f: {  	_ =	shalt  }
0x70: {  	_ =	shalt  }
0x71: {  	_ =	shalt  }
0x72: {  	_ =	shalt  }
0x73: {  	_ =	shalt  }
0x74: {  	_ =	shalt  }
0x75: {  	_ =	shalt  }
0x76: {  	_ =	shalt  }
0x77: {  	_ =	shalt  }
0x78: {  	_ =	shalt  }
0x79: {  	_ =	shalt  }
0x7a: {  	_ =	shalt  }
0x7b: {  	_ =	shalt  }
0x7c: {  	_ =	shalt  }
0x7d: {  	_ =	shalt  }
0x7e: {  	_ =	shalt  }
0x7f: {  	_ =	shalt  }
0x80: {  	_ =	shalt  }
0x81: {  	_ =	shalt  }
0x82: {  	_ =	shalt  }
0x83: {  	_ =	shalt  }
0x84: {  	_ =	shalt  }
0x85: {  	_ =	shalt  }
0x86: {  	_ =	shalt  }
0x87: {  	_ =	shalt  }
.Lfunc_end0:
.L_simem_size_0:
called_computation.1_lowered:
.L_overlay_start_0:
0x88: {  	s2 =	sld [smem:$0x3FD9]  }
0x89: {  	s3 =	sld [smem:$0x3FFE];
	_ =	sdelay $0x1  }
0x8a: {  	s1 =	srdreg.scid  }
0x8b: {  	s0 =	sand.u32 $0x1, s1  }
0x8c: {  	s17 =	sshll.u32 s0, $0xA;
	s2 =	sadd.s32 s3, s2  }
0x8d: {  	s2 =	sadd.s32 s2, s17  }
0x8e: {  	[smem:$0x3FC4] =	sst s2  }
0x8f: {  	_ = 	snop  }
0x90: {  	s2 =	sld [smem:$0x3FD0];
	(tm) =	ssettm $0x1  }
0x91: {  	s18 =	sld [smem:$0x3FFB];
	_ =	sdelay $0x3  }
0x92: {  	_ =	strace s18  }
0x93: {  	s3 =	sld [smem:$0x3FFC];
	_ =	sdelay $0x3  }
0x94: {  	_ =	strace s3  }
0x95: {  	s3 =	sld [smem:$0x3FFD];
	_ =	sdelay $0x3  }
0x96: {  	_ =	strace s3  }
0x97: {  	_ =	strace $0x8FFFFFFF  }
0x98: {  	s19 =	sld [smem:$0x3FDB];
	_ =	sdelay $0x1  }
0x99: {  	s4 =	simm.s32 $_scs_section_size  }
0x9a: {  	s5 =	simm.s32 $_size__tile_overlayer_lowered;
	s6 =	simm.s32 $_tile_overlayer_lowered  }
0x9b: {  	s22 =	simm.s32 $0x1BFF;
	s21 =	sshll.u32 s6, $0x1;
	s3 =	sadd.s32 s4, s19  }
0x9c: {  	s7 =	simm.s32 $0x0;
	s20 =	sshll.u32 s5, $0x1;
	s5 =	sadd.s32 s21, s3  }
0x9d: {  	[timem:s7], [sflag:s22] =	dma.local [hbm:s5], s20  }
0x9e: {  	_ =	swait.ge [sflag:s22], s20  }
0x9f: {  	s4 =	ssub.s32 $0x0, s20;
	[sflag:s22] =	ssyncset.done $0x0  }
0xa0: {  	[sflag:s22] =	ssyncadd.s32 s4;
	_ =	sdelay $0x1  }
0xa1: {  	s23 =	simm.s32 $0x1B8B  }
0xa2: {  	_ =	swait.ge [sflag:s23], $0x1  }
0xa3: {  	[sflag:s23] =	ssyncset.done $0x0  }
0xa4: {  	s25 =	simm.s32 $0x1B8E;
	s24 =	sld [smem:$0x3FFE];
	[sflag:s23] =	ssyncadd.s32 $0xFFFFFFFF  }
0xa5: {  	s26 =	simm.s32 $execute0_lowered;
	[smem:$0x3FD2] =	sst s25  }
0xa6: {  	s5 =	sshll.u32 s26, $0x1;
	_ =	strace $0x80000046;
	[dreg:$0x1] =	wrdreg $0xFFFFFFFF  }
0xa7: {  	s28 =	simm.s32 $_size_execute0_lowered;
	s3 =	sadd.s32 s3, s5;
	[dreg:$0x0] =	wrdreg $0x0  }
0xa8: {  	s5 =	sshll.u32 s28, $0x1;
	[dreg:$0x2] =	wrdreg s3  }
0xa9: {  	[dreg:$0x3] =	wrdreg s5  }
0xaa: {  	[dreg:$0x4] =	wrdreg $0xC0  }
0xab: {  	_ =	task [dreg:s7], $0x5FFFF  }
0xac: {  	[dreg:$0x1] =	wrdreg $0xFFFFFFFF  }
0xad: {  	[dreg:$0x0] =	wrdreg $0x60  }
0xae: {  	[dreg:$0x2] =	wrdreg s24  }
0xaf: {  	[dreg:$0x3] =	wrdreg s2  }
0xb0: {  	[dreg:$0x4] =	wrdreg $0xA  }
0xb1: {  	_ =	task.clear_ibuf [dreg:s7], $0x5FFFF;
	_ =	strace $0x90000046  }
0xb2: {  	s29 =	simm.s32 $0xA;
	_ =	strace $0x80000048  }
0xb3: {  	_ =	swait.ge [sflag:s29], $0x1  }
0xb4: {  	[sflag:s29] =	ssyncadd.s32 $0xFFFFFFFF  }
0xb5: {  	_ =	strace $0x90000048  }
0xb6: {  	_ =	sfence  }
0xb7: {  	s30 =	sld [smem:$0x0];
	_ =	sdelay $0x2  }
0xb8: {  	s31 =	sshll.u32 s1, $0xD;
	s1 =	sshrl.u32 s1, $0x2  }
0xb9: {  	s3 =	sand.u32 $0x4000, s31;
	s1 =	sadd.s32 s1, s30  }
0xba: {  	s0 =	sor.u32 s3, s0;
	s1 =	sshll.u32 s1, $0x11  }
0xbb: {  	s0 =	sor.u32 s1, s0  }
0xbc: {  	s0 =	sadd.s32 $0x8F2B, s0  }
0xbd: {  	[sflag:s0] =	ssyncadd.remote.s32 $0x1  }
0xbe: {  	_ =	sfence.sel $0xFFFF  }
0xbf: {  	[dreg:$0x0] =	wrdreg $0xFFFFFFFF;
	(pc) =	sbr.abs _section_cstart, $3  }
0xc0: {  	[dreg:$0x1] =	wrdreg $0xFFFFFFFF  }
0xc1: {  	_ =	task.clear_ibuf [dreg:s7], $0x2FFFF;
	_ =	strace $0x9FFFFFFF  }
0xc2: {  	(tm) =	ssettm $0x7FFFFFFF  }
0xc3: {  	_ =	shalt  }
tec
execute0_lowered:
.L_overlay_start_1:
0x0: {  	(tag) =	ssettag $0x1  }
0x1: {  	s7 =	rddreg [dreg:$0x0]  }
0x2: {  	s0 =	srdreg.scid;
	s2 =	rddreg [dreg:$0x1]  }
0x3: {  	s1 =	stileid.u32;
	s5 =	simm.s32 $0x2;
	s9 =	simm.s32 $0x3  }
0x4: {  	s3 =	sshll.u32 s0, $0x4;
	s0 =	rddreg [dreg:$0x2];
	_ =	strace $0x80000047  }
.Ltmp0:
0x5: {  	s4 =	sand.u32 $0x10, s3;
	s3 =	simm.s32 $0x1;
	(pc) =	sbr.rel .LBB2_1-.Ltmp0, $4  }
0x6: {  	s12 =	simm.s32 $0x0;
	s4 =	sor.u32 s1, s4;
	[sflag:s3] =	ssyncpa.u1 $0x0  }
0x7: {  	s10 =	simm.s32 $0x0;
	s4 =	smul.u32 $0x180, s4;
	[sflag:s5] =	ssyncpa.u1 $0x0  }
0x8: {  	s6 =	sadd.s32 $0x96200, s7;
	s7 =	sadd.s32 $0x38AE00, s7;
	[sflag:s9] =	ssyncpa.u1 $0x0  }
0x9: {  	vm0 =	vmmov $0xff;
	vm1 =	vcmask $0x3F20;
	s9 =	simm.s32 $0x180;
	s8 =	sadd.s32 $0x180, s4;
	s11 =	smov.u32 s4  }
.LBB2_10:
0xa: {  	s12 =	sshrl.u32 s11, $0x3  }
0xb: {  	s13 =	sand.u32 $0x7, s11;
	s12 =	sadd.s32 s2, s12  }
0xc: {  	[tilespmem:s9], [sflag:$0x2] =	stream.linear.gather [hbm4b:s12+s13], $0x180, $0x38;
	[tilespmem:$0x18300] =	vst v63  }
.LBB2_8:
0xd: {  	s12 =	sadd.s32 $0x180, s11  }
0xe: {  	s13 =	smov.u32 s4;
	p0 =	slt.s32 s12, s8  }
0xf: {  	s13 =	smov.u32 @p0 s12  }
0x10: {  	s10 =	sadd.s32 $0x1, s10;
	s12 =	smov.u32 s11;
	s11 =	smov.u32 s13  }
.LBB2_1:
0x11: {  	p0 =	seq.s32 s10, $0x0  }
.Ltmp1:
0x12: {  	_ = 	snop;
	(pc) =	sbr.rel @p0 .LBB2_10-.Ltmp1, $1  }
0x13: {  	_ =	sdelay $0x3  }
0x14: {  	p0 =	seq.s32 s10, $0x1  }
.Ltmp2:
0x15: {  	_ = 	snop;
	(pc) =	sbr.rel @!p0 .LBB2_9-.Ltmp2, $1  }
0x16: {  	_ =	sdelay $0x3  }
0x17: {  	_ =	swait.ge [sflag:s5], $0x180  }
0x18: {  	[sflag:s5] =	ssyncset.done $0x0  }
0x19: {  	s13 =	simm.s32 $0x0;
	[sflag:s5] =	ssyncadd.s32 $0xFFFFFE80  }
0x1a: {  	v0 =	vld.msk [tilespmem:s13+$0x180 ss:$0x1], $0xffff;
	_ =	sdelay $0x4  }
0x1b: {  	v1 =	vand.u32 $0x7, v0;
	v2 =	vshll.u32 v0, $0x4  }
0x1c: {  	vm2 =	veq.s32 v0, $0x80000000;
	v0 =	vmul.u32 $0x96000, v1;
	v1 =	vand.u32 $0xFFF80, v2  }
0x1d: {  	v1 =	vsel vm2, $0xFFFFFF80, v1  }
0x1e: {  	v0 =	vsel vm2, $0xFFF6A000, v0;
	v2 =	vand.u32 $0xFFFFFC00, v1  }
0x1f: {  	v1 =	vand.u32 $0x380, v1;
	v0 =	vadd.s32 v0, v2  }
0x20: {  	v0 =	vor.u32 v1, v0  }
0x21: {  	v0 =	vshrl.u32 v0, $0x3;
	_ =	sdelay $0x3  }
0x22: {  	s13 =	simm.s32 $0xC300  }
0x23: {  	[tilespmem:s13], [sflag:$0x1] =	stream.indirect_vreg.gather [hbm:s6], $0x80, v0, vm0, $0x38;
	[tilespmem:$0x18300] =	vst v63  }
0x24: {  	s14 =	simm.s32 $0xC700;
	s31 =	simm.s32 $0x10  }
0x25: {  	[tilespmem:s14], [sflag:$0x1] =	stream.indirect_vreg.gather [hbm:s6], $0x80, v0, vm1, $0x38;
	[tilespmem:$0x18300] =	vst v63  }
0x26: {  	s14 =	simm.s32 $0x80;
	v0 =	vld.msk [tilespmem:s31+$0x180 ss:$0x1], $0xffff  }
.LBB2_4:
0x27: {  	p0 =	sne.s32 s14, $0x5C0;
	_ =	sdelay $0x4  }
0x28: {  	v1 =	vand.u32 $0x7, v0;
	v2 =	vshll.u32 v0, $0x4  }
0x29: {  	vm2 =	veq.s32 v0, $0x80000000;
	v0 =	vmul.u32 $0x96000, v1;
	v1 =	vand.u32 $0xFFF80, v2  }
0x2a: {  	v1 =	vsel vm2, $0xFFFFFF80, v1  }
0x2b: {  	v0 =	vsel vm2, $0xFFF6A000, v0;
	v2 =	vand.u32 $0xFFFFFC00, v1  }
0x2c: {  	v1 =	vand.u32 $0x380, v1;
	v0 =	vadd.s32 v0, v2  }
0x2d: {  	v0 =	vor.u32 v1, v0  }
0x2e: {  	v0 =	vshrl.u32 v0, $0x3;
	_ =	sdelay $0x3  }
.Ltmp3:
0x2f: {  	s13 =	sadd.s32 $0x800, s13;
	(pc) =	sbr.rel @p0 .LBB2_4-.Ltmp3, $4  }
0x30: {  	[tilespmem:s13], [sflag:$0x1] =	stream.indirect_vreg.gather [hbm:s6], $0x80, v0, vm0, $0x38;
	[tilespmem:$0x18300] =	vst v63  }
0x31: {  	s15 =	sshra.s32 s14, $0x2;
	s16 =	sadd.s32 $0x400, s13  }
0x32: {  	[tilespmem:s16], [sflag:$0x1] =	stream.indirect_vreg.gather [hbm:s6], $0x80, v0, vm1, $0x38;
	[tilespmem:$0x18300] =	vst v63  }
0x33: {  	s14 =	sadd.s32 $0x40, s14;
	v0 =	vld.msk [tilespmem:s15+$0x180 ss:$0x1], $0xffff  }
0x34: {  	_ =	sdelay $0x3  }
0x35: {  	v1 =	vand.u32 $0x7, v0;
	v2 =	vshll.u32 v0, $0x4  }
0x36: {  	vm2 =	veq.s32 v0, $0x80000000;
	v61 =	vmul.u32 $0x96000, v1;
	v62 =	vand.u32 $0xFFF80, v2  }
0x37: {  	v1 =	vsel vm2, $0xFFFFFF80, v62  }
0x38: {  	v0 =	vsel vm2, $0xFFF6A000, v61;
	v63 =	vand.u32 $0xFFFFFC00, v1  }
0x39: {  	v1 =	vand.u32 $0x380, v1;
	v0 =	vadd.s32 v0, v63  }
0x3a: {  	v0 =	vor.u32 v1, v0  }
0x3b: {  	v0 =	vshrl.u32 v0, $0x3;
	_ =	sdelay $0x3  }
0x3c: {  	s13 =	sadd.s32 $0x800, s13  }
0x3d: {  	[tilespmem:s13], [sflag:$0x1] =	stream.indirect_vreg.gather [hbm:s6], $0x80, v0, vm0, $0x38;
	[tilespmem:$0x18300] =	vst v63  }
0x3e: {  	s13 =	sadd.s32 $0x400, s13  }
0x3f: {  	[tilespmem:s13], [sflag:$0x1] =	stream.indirect_vreg.gather [hbm:s6], $0x80, v0, vm1, $0x38;
	[tilespmem:$0x18300] =	vst v63  }
0x40: {  	s12 =	sshll.u32 s12, $0x4;
	s14 =	simm.s32 $0x80;
	_ =	swait.ge [sflag:s3], $0xC000  }
0x41: {  	s15 =	simm.s32 $0xC700;
	s12 =	sadd.s32 s12, s7;
	[sflag:s3] =	ssyncset.done $0x0  }
0x42: {  	s16 =	sadd.s32 $0x0, s12;
	s13 =	simm.s32 $0xC300;
	[sflag:s3] =	ssyncadd.s32 $0xFFFF4000  }
.LBB2_6:
0x43: {  	[hbm:s16] =	stream.linear.scatter [tilespmem:s13], [sflag:$0x3], $0x400, $0x38;
	[tilespmem:$0x18300] =	vst v63  }
0x44: {  	s16 =	smov.u32 s14;
	s13 =	smov.u32 s15;
	p0 =	seq.s32 s14, $0x1780  }
.Ltmp4:
0x45: {  	s14 =	sadd.s32 $0x80, s14;
	(pc) =	sbr.rel @!p0 .LBB2_6-.Ltmp4, $2  }
0x46: {  	_ =	sdelay $0x2  }
0x47: {  	s15 =	sadd.s32 $0x400, s15;
	s16 =	sadd.s32 s16, s12  }
.Ltmp5:
0x48: {  	(pc) =	sbr.rel .LBB2_8-.Ltmp5, $2  }
0x49: {  	_ =	sdelay $0x2  }
0x4a: {  	[hbm:s16] =	stream.linear.scatter [tilespmem:s13], [sflag:$0x3], $0x400, $0x38;
	[tilespmem:$0x18300] =	vst v63  }
.LBB2_9:
0x4b: {  	s2 =	simm.s32 $0x3  }
0x4c: {  	_ =	swait.ge [sflag:s2], $0xC000  }
0x4d: {  	[sflag:s2] =	ssyncset.done $0x0  }
0x4e: {  	[sflag:s2] =	ssyncadd.s32 $0xFFFF4000  }
0x4f: {  	_ =	sfence.sel $0x180000  }
0x50: {  	s3 =	simm.s32 $0x2;
	[bflag:$0x0] =	sbarrier.arrive $0xFFFF  }
0x51: {  	[sflag:s3] =	ssyncpa.u1 $0x1  }
0x52: {  	s31 =	simm.s32 $0x1;
	[sflag:s2] =	ssyncpa.u1 $0x1  }
0x53: {  	[sflag:s31] =	ssyncpa.u1 $0x1  }
0x54: {  	p0 =	sne.s32 s1, $0x0;
	_ =	strace $0x90000047  }
0x55: {  	s0 =	sadd.s32 @!p0 $0x100000, s0;
	[bflag:$0x2] =	sbarrier.arrive $0xFFFF  }
0x56: {  	[sflag:s0] =	ssyncadd.tile.s32 @!p0 $0x1;
	_ =	shalt  }
.Lfunc_end2:
_tile_overlayer_lowered:
.L_overlay_start_2:
0x57: {  	(tag) =	ssettag $0x2  }
0x58: {  	s0 =	rddreg [dreg:$0x0];
	s2 =	stileid.u32  }
0x59: {  	s1 =	rddreg [dreg:$0x1];
	p0 =	sne.s32 s2, $0x0  }
0x5a: {  	s3 =	rddreg [dreg:$0x2];
	[bflag:$0x3] =	sbarrier.arrive $0xFFFF;
	s2 =	simm.s32 @!p0 $0x1C01  }
0x5b: {  	[timem:s3], [sflag:s2] =	dma.local @!p0 [hbm:s0], s1  }
0x5c: {  	s0 =	simm.s32 @!p0 $0x1  }
0x5d: {  	_ =	swait.ge @!p0 [sflag:s0], s1  }
0x5e: {  	s1 =	ssub.s32 @!p0 $0x0, s1;
	[sflag:s0] =	ssyncset.done @!p0 $0x0  }
0x5f: {  	[sflag:s0] =	ssyncadd.s32 @!p0 s1  }
0x60: {  	[bflag:$0x3] =	sbarrier.arrive $0xFFFF  }
0x61: {  	_ =	shalt  }

// kernel: gather_offload_async_start.2
scs
__scs_entry_jumppad:
0x0: {  	(pc) =	sbr.rel $0x88, $3  }
0x1: {  	(tag) =	ssettag $0x0;
	lr =	simm.s32 $0x1  }
0x2: {  	[smem:$0x3F9D] =	sst lr;
	_ =	strace $0xD0000000  }
0x3: {  	_ = 	snop  }
0x4: {  	_ = 	snop  }
0x5: {  	_ = 	snop  }
0x6: {  	_ = 	snop  }
0x7: {  	_ = 	snop  }
__scs_overlays_trampoline_lowered:
0x8: {  	[smem:$0x3FAC] =	sst s0  }
0x9: {  	[smem:$0x3FAD] =	sst s1  }
0xa: {  	[smem:$0x3FAE] =	sst s2  }
0xb: {  	[smem:$0x3FAF] =	sst s3  }
0xc: {  	[smem:$0x3FB0] =	sst s4  }
0xd: {  	[smem:$0x3FB1] =	sst s5  }
0xe: {  	[smem:$0x3FB2] =	sst s6  }
0xf: {  	[smem:$0x3FB3] =	sst s7  }
0x10: {  	[smem:$0x3FB4] =	sst s8  }
0x11: {  	[smem:$0x3FB5] =	sst s9;
	s0 =	simm.s32 @!p0 $0x0  }
0x12: {  	s1 =	sld [smem:$0x3F9B];
	s0 =	simm.s32 @p0 $0x1  }
0x13: {  	[smem:$0x3FB6] =	sst s0;
	s0 =	simm.s32 @!p1 $0x0  }
0x14: {  	s2 =	sld [smem:$0x3F9A];
	s0 =	simm.s32 @p1 $0x1  }
0x15: {  	[smem:$0x3FB7] =	sst s0;
	s0 =	simm.s32 @!p2 $0x0  }
0x16: {  	s3 =	sld [smem:$0x3FDB];
	s0 =	simm.s32 @p2 $0x1  }
0x17: {  	s4 =	simm.s32 $0x1BF5;
	[smem:$0x3FB9] =	sst s0  }
0x18: {  	s0 =	sld [smem:$0x3F9C];
	_ =	swait.ge [sflag:s4], $0x0  }
0x19: {  	s7 =	sld [smem:$0x3F9D]  }
0x1a: {  	s8 =	sadd.s32 $0xFFFFE003, lr  }
0x1b: {  	s9 =	sadd.s32 $0xFFFFFEF7, lr;
	s5 =	simm.s32 $0xFFFFFFFF;
	p2 =	slt.u32 s8, $0xFFFFF086  }
0x1c: {  	p1 =	slt.u32 s9, $0xF7A;
	s5 =	simm.s32 @!p2 $0x0  }
0x1d: {  	s5 =	simm.s32 @p1 $0x1;
	p0 =	seq.s32 s7, s2  }
0x1e: {  	s7 =	smul.u32 @!p0 $0xF7A, s2;
	p2 =	seq.s32 @!p0 s5, $0x0  }
0x1f: {  	s9 =	smul.u32 $0xF7A, s1;
	s8 =	simm.s32 @!p0 $0x1BF5;
	p2 =	por !p2, p0  }
0x20: {  	[sflag:s8] =	ssyncset.s32 @!p0 $0xFFFFF086;
	s6 =	sadd.s32 @!p0 s3, s7;
	s7 =	simm.s32 @!p0 $0x108  }
0x21: {  	s3 =	sadd.s32 s3, s9;
	s6 =	sadd.s32 @!p0 $0x88, s6;
	s7 =	simm.s32 @p2 $0x1082  }
0x22: {  	[simem:s7], [sflag:s8] =	dma.local @!p0 [hbm:s6], $0xF7A  }
0x23: {  	s9 =	sor.u32 $0xD0000000, s2;
	s6 =	simm.s32 $0x108;
	_ =	swait.ge @!p0 [sflag:s8], $0x0  }
0x24: {  	s3 =	sadd.s32 $0x88, s3;
	s6 =	simm.s32 @!p1 $0x1082;
	[sflag:s4] =	ssyncset.s32 $0xFFFFF086  }
0x25: {  	[simem:s6], [sflag:s4] =	dma.local [hbm:s3], $0xF7A  }
0x26: {  	[smem:$0x3F9D] =	sst s1;
	(tag) =	ssettag s2;
	_ =	strace s9  }
0x27: {  	s1 =	sld [smem:$0x3FAD]  }
0x28: {  	s2 =	sld [smem:$0x3FAE]  }
0x29: {  	s4 =	sld [smem:$0x3FB0]  }
0x2a: {  	p0 =	seq.s32 s5, $0x0;
	s5 =	sld [smem:$0x3FB1]  }
0x2b: {  	s6 =	sld [smem:$0x3FB2]  }
0x2c: {  	s7 =	sld [smem:$0x3FB3]  }
0x2d: {  	s3 =	simm.s32 $0x108;
	s8 =	sld [smem:$0x3FB4]  }
0x2e: {  	s3 =	simm.s32 @!p0 $0x1082;
	s9 =	sld [smem:$0x3FB5]  }
0x2f: {  	lr =	sadd.s32 s0, s3;
	s0 =	sld [smem:$0x3FAC]  }
0x30: {  	s3 =	sld [smem:$0x3FAF]  }
0x31: {  	[smem:$0x3FB8] =	sst s10  }
0x32: {  	s10 =	sld [smem:$0x3FB6];
	_ =	sdelay $0x3  }
0x33: {  	p0 =	seq.s32 s10, $0x1;
	s10 =	sld [smem:$0x3FB8];
	_ =	sdelay $0x3  }
0x34: {  	[smem:$0x3FB8] =	sst s10  }
0x35: {  	s10 =	sld [smem:$0x3FB7];
	_ =	sdelay $0x3  }
0x36: {  	p1 =	seq.s32 s10, $0x1;
	s10 =	sld [smem:$0x3FB8];
	_ =	sdelay $0x3  }
0x37: {  	[smem:$0x3FB8] =	sst s10  }
0x38: {  	s10 =	sld [smem:$0x3FB9]  }
0x39: {  	_ = 	snop;
	(pc) =	sbr.ind lr, $3  }
0x3a: {  	_ = 	snop  }
0x3b: {  	_ = 	snop  }
0x3c: {  	p2 =	seq.s32 s10, $0x1;
	s10 =	sld [smem:$0x3FB8]  }
0x3d: {  	_ =	shalt  }
0x3e: {  	_ =	shalt  }
0x3f: {  	_ =	shalt  }
0x40: {  	_ =	shalt  }
0x41: {  	_ =	shalt  }
0x42: {  	_ =	shalt  }
0x43: {  	_ =	shalt  }
0x44: {  	_ =	shalt  }
0x45: {  	_ =	shalt  }
0x46: {  	_ =	shalt  }
0x47: {  	_ =	shalt  }
0x48: {  	_ =	shalt  }
0x49: {  	_ =	shalt  }
0x4a: {  	_ =	shalt  }
0x4b: {  	_ =	shalt  }
0x4c: {  	_ =	shalt  }
0x4d: {  	_ =	shalt  }
0x4e: {  	_ =	shalt  }
0x4f: {  	_ =	shalt  }
0x50: {  	_ =	shalt  }
0x51: {  	_ =	shalt  }
0x52: {  	_ =	shalt  }
0x53: {  	_ =	shalt  }
0x54: {  	_ =	shalt  }
0x55: {  	_ =	shalt  }
0x56: {  	_ =	shalt  }
0x57: {  	_ =	shalt  }
0x58: {  	_ =	shalt  }
0x59: {  	_ =	shalt  }
0x5a: {  	_ =	shalt  }
0x5b: {  	_ =	shalt  }
0x5c: {  	_ =	shalt  }
0x5d: {  	_ =	shalt  }
0x5e: {  	_ =	shalt  }
0x5f: {  	_ =	shalt  }
0x60: {  	_ =	shalt  }
0x61: {  	_ =	shalt  }
0x62: {  	_ =	shalt  }
0x63: {  	_ =	shalt  }
0x64: {  	_ =	shalt  }
0x65: {  	_ =	shalt  }
0x66: {  	_ =	shalt  }
0x67: {  	_ =	shalt  }
0x68: {  	_ =	shalt  }
0x69: {  	_ =	shalt  }
0x6a: {  	_ =	shalt  }
0x6b: {  	_ =	shalt  }
0x6c: {  	_ =	shalt  }
0x6d: {  	_ =	shalt  }
0x6e: {  	_ =	shalt  }
0x6f: {  	_ =	shalt  }
0x70: {  	_ =	shalt  }
0x71: {  	_ =	shalt  }
0x72: {  	_ =	shalt  }
0x73: {  	_ =	shalt  }
0x74: {  	_ =	shalt  }
0x75: {  	_ =	shalt  }
0x76: {  	_ =	shalt  }
0x77: {  	_ =	shalt  }
0x78: {  	_ =	shalt  }
0x79: {  	_ =	shalt  }
0x7a: {  	_ =	shalt  }
0x7b: {  	_ =	shalt  }
0x7c: {  	_ =	shalt  }
0x7d: {  	_ =	shalt  }
0x7e: {  	_ =	shalt  }
0x7f: {  	_ =	shalt  }
0x80: {  	_ =	shalt  }
0x81: {  	_ =	shalt  }
0x82: {  	_ =	shalt  }
0x83: {  	_ =	shalt  }
0x84: {  	_ =	shalt  }
0x85: {  	_ =	shalt  }
0x86: {  	_ =	shalt  }
0x87: {  	_ =	shalt  }
.Lfunc_end0:
.L_simem_size_0:
called_computation.2_lowered:
.L_overlay_start_0:
0x88: {  	s2 =	sld [smem:$0x3FD9]  }
0x89: {  	s3 =	sld [smem:$0x3FFE];
	_ =	sdelay $0x1  }
0x8a: {  	s1 =	srdreg.scid  }
0x8b: {  	s0 =	sand.u32 $0x1, s1  }
0x8c: {  	s17 =	sshll.u32 s0, $0xA;
	s2 =	sadd.s32 s3, s2  }
0x8d: {  	s2 =	sadd.s32 s2, s17  }
0x8e: {  	[smem:$0x3FC4] =	sst s2  }
0x8f: {  	_ = 	snop  }
0x90: {  	s2 =	sld [smem:$0x3FD0];
	(tm) =	ssettm $0x1  }
0x91: {  	s18 =	sld [smem:$0x3FFB];
	_ =	sdelay $0x3  }
0x92: {  	_ =	strace s18  }
0x93: {  	s3 =	sld [smem:$0x3FFC];
	_ =	sdelay $0x3  }
0x94: {  	_ =	strace s3  }
0x95: {  	s3 =	sld [smem:$0x3FFD];
	_ =	sdelay $0x3  }
0x96: {  	_ =	strace s3  }
0x97: {  	_ =	strace $0x8FFFFFFF  }
0x98: {  	s19 =	sld [smem:$0x3FDB];
	_ =	sdelay $0x1  }
0x99: {  	s4 =	simm.s32 $_scs_section_size  }
0x9a: {  	s5 =	simm.s32 $_size__tile_overlayer_lowered;
	s6 =	simm.s32 $_tile_overlayer_lowered  }
0x9b: {  	s22 =	simm.s32 $0x1BFF;
	s21 =	sshll.u32 s6, $0x1;
	s3 =	sadd.s32 s4, s19  }
0x9c: {  	s7 =	simm.s32 $0x0;
	s20 =	sshll.u32 s5, $0x1;
	s5 =	sadd.s32 s21, s3  }
0x9d: {  	[timem:s7], [sflag:s22] =	dma.local [hbm:s5], s20  }
0x9e: {  	_ =	swait.ge [sflag:s22], s20  }
0x9f: {  	s4 =	ssub.s32 $0x0, s20;
	[sflag:s22] =	ssyncset.done $0x0  }
0xa0: {  	[sflag:s22] =	ssyncadd.s32 s4;
	_ =	sdelay $0x1  }
0xa1: {  	s23 =	simm.s32 $0x1B8B  }
0xa2: {  	_ =	swait.ge [sflag:s23], $0x1  }
0xa3: {  	[sflag:s23] =	ssyncset.done $0x0  }
0xa4: {  	s25 =	simm.s32 $0x1B8E;
	s24 =	sld [smem:$0x3FFE];
	[sflag:s23] =	ssyncadd.s32 $0xFFFFFFFF  }
0xa5: {  	s26 =	simm.s32 $execute0_lowered;
	[smem:$0x3FD2] =	sst s25  }
0xa6: {  	s5 =	sshll.u32 s26, $0x1;
	_ =	strace $0x8000004C;
	[dreg:$0x1] =	wrdreg $0xFFFFFFFF  }
0xa7: {  	s28 =	simm.s32 $_size_execute0_lowered;
	s3 =	sadd.s32 s3, s5;
	[dreg:$0x0] =	wrdreg $0x0  }
0xa8: {  	s5 =	sshll.u32 s28, $0x1;
	[dreg:$0x2] =	wrdreg s3  }
0xa9: {  	[dreg:$0x3] =	wrdreg s5  }
0xaa: {  	[dreg:$0x4] =	wrdreg $0xC0  }
0xab: {  	_ =	task [dreg:s7], $0x5FFFF  }
0xac: {  	[dreg:$0x1] =	wrdreg $0xFFFFFFFF  }
0xad: {  	[dreg:$0x0] =	wrdreg $0x60  }
0xae: {  	[dreg:$0x2] =	wrdreg s24  }
0xaf: {  	[dreg:$0x3] =	wrdreg s2  }
0xb0: {  	[dreg:$0x4] =	wrdreg $0x9  }
0xb1: {  	_ =	task.clear_ibuf [dreg:s7], $0x5FFFF;
	_ =	strace $0x9000004C  }
0xb2: {  	s29 =	simm.s32 $0x9;
	_ =	strace $0x8000004E  }
0xb3: {  	_ =	swait.ge [sflag:s29], $0x1  }
0xb4: {  	[sflag:s29] =	ssyncadd.s32 $0xFFFFFFFF  }
0xb5: {  	_ =	strace $0x9000004E  }
0xb6: {  	_ =	sfence  }
0xb7: {  	s30 =	sld [smem:$0x0];
	_ =	sdelay $0x2  }
0xb8: {  	s31 =	sshll.u32 s1, $0xD;
	s1 =	sshrl.u32 s1, $0x2  }
0xb9: {  	s3 =	sand.u32 $0x4000, s31;
	s1 =	sadd.s32 s1, s30  }
0xba: {  	s0 =	sor.u32 s3, s0;
	s1 =	sshll.u32 s1, $0x11  }
0xbb: {  	s0 =	sor.u32 s1, s0  }
0xbc: {  	s0 =	sadd.s32 $0x8F2B, s0  }
0xbd: {  	[sflag:s0] =	ssyncadd.remote.s32 $0x1  }
0xbe: {  	_ =	sfence.sel $0xFFFF  }
0xbf: {  	[dreg:$0x0] =	wrdreg $0xFFFFFFFF;
	(pc) =	sbr.abs _section_cstart, $3  }
0xc0: {  	[dreg:$0x1] =	wrdreg $0xFFFFFFFF  }
0xc1: {  	_ =	task.clear_ibuf [dreg:s7], $0x2FFFF;
	_ =	strace $0x9FFFFFFF  }
0xc2: {  	(tm) =	ssettm $0x7FFFFFFF  }
0xc3: {  	_ =	shalt  }
tec
execute0_lowered:
.L_overlay_start_1:
0x0: {  	(tag) =	ssettag $0x1  }
0x1: {  	s8 =	rddreg [dreg:$0x0]  }
0x2: {  	s2 =	rddreg [dreg:$0x1]  }
0x3: {  	s1 =	stileid.u32;
	s3 =	srdreg.scid  }
0x4: {  	s0 =	rddreg [dreg:$0x2];
	_ =	strace $0x8000004D;
	s5 =	simm.s32 $0x1  }
0x5: {  	s9 =	simm.s32 $0x1;
	s3 =	sand.u32 $0x1, s3;
	s4 =	sshll.u32 s1, $0x1  }
0x6: {  	s10 =	simm.s32 $0x3;
	s13 =	simm.s32 $0x0;
	s6 =	sor.u32 s4, s3  }
0x7: {  	s12 =	simm.s32 $0x0;
	[sflag:s5] =	ssyncpa.u1 $0x0;
	s4 =	smul.u32 $0xA0, s6  }
0x8: {  	s3 =	sadd.s32 $0x3BAE00, s8;
	p0 =	slt.u32 s6, $0x13;
	s6 =	simm.s32 $0x1400  }
.Ltmp0:
0x9: {  	s6 =	simm.s32 @!p0 $0x0;
	s7 =	ssub.s32 $0x1F40, s4;
	(pc) =	sbr.rel .LBB2_1-.Ltmp0, $4  }
0xa: {  	s9 =	simm.s32 @!p0 $0x0;
	p0 =	sne.s32 s7, s6;
	s7 =	simm.s32 $0x1  }
0xb: {  	s8 =	sadd.s32 $0x3BC000, s8;
	s6 =	simm.s32 $0x2;
	s7 =	simm.s32 @!p0 $0x0  }
0xc: {  	s11 =	smov.u32 s4;
	[sflag:s6] =	ssyncpa.u1 $0x0;
	s7 =	sadd.s32 s9, s7  }
0xd: {  	vm0 =	vmmov $0xffff;
	[sflag:s10] =	ssyncpa.u1 $0x0;
	s10 =	simm.s32 $0x0;
	s9 =	sadd.s32 $0x1, s7  }
.LBB2_4:
0xe: {  	vm1 =	veq.s32 v4, $0x80000000;
	v56 =	vand.u32 $0x7, v4;
	v6 =	vand.u32 $0x1FFF, v6  }
0xf: {  	v2 =	vor.u32 v2, v5;
	v59 =	vshrl.u32 v1, $0x3;
	v60 =	vand.u32 $0x7, v1  }
0x10: {  	v4 =	vsel vm1, $0xFFFFFFFF, v56;
	v6 =	vsel vm1, $0xFFFFFFFF, v6;
	v2 =	vor.u32 v3, v2  }
0x11: {  	vm1 =	veq.s32 v1, $0x80000000;
	v5 =	vand.u32 $0x1FFF, v59;
	v7 =	vshrl.u32 v4, $0x3  }
0x12: {  	v57 =	vshll.u32 v6, $0x3;
	v4 =	vshll.u32 v4, $0x7;
	v1 =	vsel vm1, $0xFFFFFFFF, v60  }
0x13: {  	v5 =	vsel vm1, $0xFFFFFFFF, v5;
	v6 =	vand.u32 $0x7F, v6;
	v7 =	vmul.u32 $0x8800, v7  }
0x14: {  	v58 =	vand.u32 $0xFFFFFC00, v57;
	v4 =	vand.u32 $0x380, v4;
	v61 =	vshrl.u32 v1, $0x3  }
0x15: {  	v62 =	vshll.u32 v5, $0x3;
	v3 =	vadd.s32 v7, v58;
	v7 =	vmul.u32 $0x8800, v61  }
0x16: {  	v1 =	vshll.u32 v1, $0x7;
	v3 =	vor.u32 v4, v3;
	v4 =	vand.u32 $0xFFFFFC00, v62  }
0x17: {  	v1 =	vand.u32 $0x380, v1;
	v3 =	vor.u32 v6, v3;
	v4 =	vadd.s32 v7, v4  }
0x18: {  	[tilespmem:s16], [sflag:$0x1] =	stream.indirect_vreg.gather [hbm4b:s3+s10], $0x1, v0, vm0, $0x4038;
	v63 =	vand.u32 $0x7F, v5;
	v1 =	vor.u32 v1, v4;
	[tilespmem:$0x280] =	vst v63  }
0x19: {  	s15 =	sadd.s32 $0x10, s15;
	(ifvalue) =	ssetifvalue $0x7FFFFFFF;
	v0 =	vor.u32 v63, v1  }
0x1a: {  	[tilespmem:s15], [sflag:$0x1] =	stream.indirect_vreg.gather [hbm4b:s3+s10], $0x1, v2, vm0, $0x4038;
	[tilespmem:$0x280] =	vst v63  }
0x1b: {  	s15 =	sadd.s32 $0x10, s15;
	(ifvalue) =	ssetifvalue $0x7FFFFFFF  }
0x1c: {  	[tilespmem:s15], [sflag:$0x1] =	stream.indirect_vreg.gather [hbm4b:s3+s10], $0x1, v3, vm0, $0x4038;
	[tilespmem:$0x280] =	vst v63  }
0x1d: {  	s15 =	sadd.s32 $0x10, s15;
	(ifvalue) =	ssetifvalue $0x7FFFFFFF  }
0x1e: {  	[tilespmem:s15], [sflag:$0x1] =	stream.indirect_vreg.gather [hbm4b:s3+s10], $0x1, v0, vm0, $0x4038;
	[tilespmem:$0x280] =	vst v63  }
0x1f: {  	_ =	swait.ge [sflag:s5], $0xA0  }
0x20: {  	s30 =	sshrl.u32 s13, $0x3;
	[sflag:s5] =	ssyncset.done $0x0  }
0x21: {  	s31 =	sand.u32 $0x7, s13;
	s15 =	sadd.s32 s8, s30;
	[sflag:s5] =	ssyncadd.s32 $0xFFFFFF60  }
0x22: {  	[hbm4b:s15+s31] =	stream.linear.scatter [tilespmem:s14], [sflag:$0x3], $0xA0, $0x38;
	[tilespmem:$0x280] =	vst v63  }
.LBB2_5:
0x23: {  	s15 =	sadd.s32 $0x1400, s11  }
0x24: {  	p1 =	sgt.s32 s15, $0x1F3F  }
0x25: {  	s15 =	smov.u32 @p1 s4;
	p1 =	sne.s32 s12, s9  }
.Ltmp1:
0x26: {  	p0 =	slt.u32 s12, $0x2;
	(pc) =	sbr.rel @!p1 .LBB2_6-.Ltmp1, $4  }
0x27: {  	s14 =	simm.s32 @!p0 $0x3  }
0x28: {  	_ =	swait.ge @!p0 [sflag:s14], $0xA0  }
0x29: {  	s16 =	sadd.s32 $0x1, s12;
	s13 =	smov.u32 s11;
	[sflag:s14] =	ssyncset.done @!p0 $0x0  }
0x2a: {  	s12 =	smov.u32 s16;
	s11 =	smov.u32 s15;
	[sflag:s14] =	ssyncadd.s32 @!p0 $0xFFFFFF60  }
.LBB2_1:
0x2b: {  	p0 =	sge.u32 s12, s7  }
0x2c: {  	s14 =	sxor.u32 @!p0 $0x1, s12  }
0x2d: {  	s14 =	smul.u32 @!p0 $0x280, s14  }
0x2e: {  	s31 =	sadd.s32 $0xFFFFFFFF, s12;
	s15 =	sshrl.u32 @!p0 s11, $0x3  }
0x2f: {  	s16 =	sand.u32 @!p0 $0x7, s11;
	s15 =	sadd.s32 @!p0 s2, s15;
	s14 =	sshra.s32 @!p0 s14, $0x2  }
0x30: {  	[tilespmem:s14], [sflag:$0x2] =	stream.linear.gather @!p0 [hbm4b:s15+s16], $0xA0, $0x38;
	[tilespmem:$0x280] =	vst v63  }
0x31: {  	p0 =	sge.u32 s31, s7  }
.Ltmp2:
0x32: {  	_ = 	snop;
	(pc) =	sbr.rel @p0 .LBB2_5-.Ltmp2, $1  }
0x33: {  	_ =	sdelay $0x3  }
0x34: {  	s14 =	sand.u32 $0x1, s12  }
0x35: {  	_ =	swait.ge [sflag:s6], $0xA0;
	p0 =	seq.s32 s14, $0x1;
	s14 =	simm.s32 $0xA0  }
0x36: {  	[sflag:s6] =	ssyncset.done $0x0;
	s14 =	simm.s32 @!p0 $0x0  }
0x37: {  	[sflag:s6] =	ssyncadd.s32 $0xFFFFFF60;
	(ifvalue) =	ssetifvalue $0x7FFFFFFF;
	v0 =	vld.msk [tilespmem:s14+$0x0 ss:$0x1], $0xffff  }
0x38: {  	s15 =	sadd.s32 $0x10, s14  }
0x39: {  	v1 =	vld.msk [tilespmem:s15+$0x0 ss:$0x1], $0xffff;
	_ =	sdelay $0x2  }
0x3a: {  	v2 =	vshrl.u32 v0, $0x3  }
0x3b: {  	vm1 =	veq.s32 v0, $0x80000000;
	v0 =	vand.u32 $0x7, v0;
	v2 =	vand.u32 $0x1FFF, v2  }
0x3c: {  	v0 =	vsel vm1, $0xFFFFFFFF, v0;
	v6 =	vshrl.u32 v1, $0x3;
	v2 =	vsel vm1, $0xFFFFFFFF, v2  }
0x3d: {  	v3 =	vshrl.u32 v0, $0x3;
	v0 =	vshll.u32 v0, $0x7;
	vm1 =	veq.s32 v1, $0x80000000  }
0x3e: {  	s15 =	sadd.s32 $0x10, s15;
	v1 =	vand.u32 $0x7, v1;
	v4 =	vshll.u32 v2, $0x3;
	v3 =	vmul.u32 $0x8800, v3  }
0x3f: {  	v0 =	vand.u32 $0x380, v0;
	v7 =	vand.u32 $0x7F, v2;
	v5 =	vand.u32 $0xFFFFFC00, v4;
	v4 =	vld.msk [tilespmem:s15+$0x0 ss:$0x1], $0xffff  }
0x40: {  	v1 =	vsel vm1, $0xFFFFFFFF, v1;
	v2 =	vadd.s32 v3, v5;
	v3 =	vand.u32 $0x1FFF, v6  }
0x41: {  	v3 =	vsel vm1, $0xFFFFFFFF, v3;
	v0 =	vor.u32 v0, v2;
	v2 =	vshrl.u32 v1, $0x3  }
0x42: {  	v1 =	vshll.u32 v1, $0x7;
	v5 =	vshll.u32 v3, $0x3;
	v8 =	vmul.u32 $0x8800, v2  }
0x43: {  	s18 =	simm.s32 $0x30;
	s14 =	sor.u32 $0x140, s14;
	s17 =	sadd.s32 $0x10, s15;
	v2 =	vand.u32 $0x380, v1;
	v0 =	vor.u32 v7, v0;
	v5 =	vand.u32 $0xFFFFFC00, v5  }
0x44: {  	s16 =	smov.u32 s14;
	s15 =	smov.u32 s14;
	v1 =	vld.msk [tilespmem:s17+$0x0 ss:$0x1], $0xffff;
	v3 =	vand.u32 $0x7F, v3;
	(ifvalue) =	ssetifvalue $0x7FFFFFFF;
	v6 =	vshrl.u32 v4, $0x3;
	v5 =	vadd.s32 v8, v5  }
.LBB2_3:
0x45: {  	s18 =	sadd.s32 $0x10, s18  }
0x46: {  	vm1 =	veq.s32 v4, $0x80000000;
	v4 =	vand.u32 $0x7, v4;
	v6 =	vand.u32 $0x1FFF, v6;
	s15 =	sadd.s32 $0x10, s15;
	p0 =	slt.u32 s18, $0x90  }
.Ltmp3:
0x47: {  	v5 =	vor.u32 v2, v5;
	v4 =	vsel vm1, $0xFFFFFFFF, v4;
	v7 =	vsel vm1, $0xFFFFFFFF, v6;
	(pc) =	sbr.rel @p0 .LBB2_3-.Ltmp3, $4  }
0x48: {  	v2 =	vshrl.u32 v4, $0x3;
	v6 =	vshll.u32 v7, $0x3;
	v4 =	vshll.u32 v4, $0x7;
	[tilespmem:s16], [sflag:$0x1] =	stream.indirect_vreg.gather [hbm4b:s3+s10], $0x1, v0, vm0, $0x4038;
	[tilespmem:$0x280] =	vst v63  }
0x49: {  	v0 =	vor.u32 v3, v5;
	s16 =	smov.u32 s15;
	v8 =	vmul.u32 $0x8800, v2;
	v2 =	vand.u32 $0x380, v4  }
0x4a: {  	s17 =	sadd.s32 $0x10, s17;
	v9 =	vand.u32 $0xFFFFFC00, v6  }
0x4b: {  	v3 =	vand.u32 $0x7F, v7;
	v6 =	vshrl.u32 v1, $0x3;
	v5 =	vadd.s32 v8, v9;
	(ifvalue) =	ssetifvalue $0x7FFFFFFF;
	v4 =	vmovc v1;
	v1 =	vld.msk [tilespmem:s17+$0x0 ss:$0x1], $0xffff  }
.Ltmp4:
0x4c: {  	_ = 	snop;
	(pc) =	sbr.rel .LBB2_4-.Ltmp4, $1  }
0x4d: {  	_ =	sdelay $0x3  }
.LBB2_6:
0x4e: {  	_ =	sfence.sel $0x180000  }
0x4f: {  	s2 =	simm.s32 $0x2;
	[bflag:$0x0] =	sbarrier.arrive $0xFFFF  }
0x50: {  	s30 =	simm.s32 $0x3;
	[sflag:s2] =	ssyncpa.u1 $0x1  }
0x51: {  	s31 =	simm.s32 $0x1;
	[sflag:s30] =	ssyncpa.u1 $0x1  }
0x52: {  	[sflag:s31] =	ssyncpa.u1 $0x1  }
0x53: {  	p0 =	sne.s32 s1, $0x0;
	_ =	strace $0x9000004D  }
0x54: {  	s0 =	sadd.s32 @!p0 $0x100000, s0;
	[bflag:$0x2] =	sbarrier.arrive $0xFFFF  }
0x55: {  	[sflag:s0] =	ssyncadd.tile.s32 @!p0 $0x1;
	_ =	shalt  }
.Lfunc_end2:
_tile_overlayer_lowered:
.L_overlay_start_2:
0x56: {  	(tag) =	ssettag $0x2  }
0x57: {  	s0 =	rddreg [dreg:$0x0];
	s2 =	stileid.u32  }
0x58: {  	s1 =	rddreg [dreg:$0x1];
	p0 =	sne.s32 s2, $0x0  }
0x59: {  	s3 =	rddreg [dreg:$0x2];
	[bflag:$0x3] =	sbarrier.arrive $0xFFFF;
	s2 =	simm.s32 @!p0 $0x1C01  }
0x5a: {  	[timem:s3], [sflag:s2] =	dma.local @!p0 [hbm:s0], s1  }
0x5b: {  	s0 =	simm.s32 @!p0 $0x1  }
0x5c: {  	_ =	swait.ge @!p0 [sflag:s0], s1  }
0x5d: {  	s1 =	ssub.s32 @!p0 $0x0, s1;
	[sflag:s0] =	ssyncset.done @!p0 $0x0  }
0x5e: {  	[sflag:s0] =	ssyncadd.s32 @!p0 s1  }
0x5f: {  	[bflag:$0x3] =	sbarrier.arrive $0xFFFF  }
0x60: {  	_ =	shalt  }

// kernel: gather_offload_async_start.3
scs
__scs_entry_jumppad:
0x0: {  	(pc) =	sbr.rel $0x88, $3  }
0x1: {  	(tag) =	ssettag $0x0;
	lr =	simm.s32 $0x1  }
0x2: {  	[smem:$0x3F9D] =	sst lr;
	_ =	strace $0xD0000000  }
0x3: {  	_ = 	snop  }
0x4: {  	_ = 	snop  }
0x5: {  	_ = 	snop  }
0x6: {  	_ = 	snop  }
0x7: {  	_ = 	snop  }
__scs_overlays_trampoline_lowered:
0x8: {  	[smem:$0x3FAC] =	sst s0  }
0x9: {  	[smem:$0x3FAD] =	sst s1  }
0xa: {  	[smem:$0x3FAE] =	sst s2  }
0xb: {  	[smem:$0x3FAF] =	sst s3  }
0xc: {  	[smem:$0x3FB0] =	sst s4  }
0xd: {  	[smem:$0x3FB1] =	sst s5  }
0xe: {  	[smem:$0x3FB2] =	sst s6  }
0xf: {  	[smem:$0x3FB3] =	sst s7  }
0x10: {  	[smem:$0x3FB4] =	sst s8  }
0x11: {  	[smem:$0x3FB5] =	sst s9;
	s0 =	simm.s32 @!p0 $0x0  }
0x12: {  	s1 =	sld [smem:$0x3F9B];
	s0 =	simm.s32 @p0 $0x1  }
0x13: {  	[smem:$0x3FB6] =	sst s0;
	s0 =	simm.s32 @!p1 $0x0  }
0x14: {  	s2 =	sld [smem:$0x3F9A];
	s0 =	simm.s32 @p1 $0x1  }
0x15: {  	[smem:$0x3FB7] =	sst s0;
	s0 =	simm.s32 @!p2 $0x0  }
0x16: {  	s3 =	sld [smem:$0x3FDB];
	s0 =	simm.s32 @p2 $0x1  }
0x17: {  	s4 =	simm.s32 $0x1BF5;
	[smem:$0x3FB9] =	sst s0  }
0x18: {  	s0 =	sld [smem:$0x3F9C];
	_ =	swait.ge [sflag:s4], $0x0  }
0x19: {  	s7 =	sld [smem:$0x3F9D]  }
0x1a: {  	s8 =	sadd.s32 $0xFFFFE003, lr  }
0x1b: {  	s9 =	sadd.s32 $0xFFFFFEF7, lr;
	s5 =	simm.s32 $0xFFFFFFFF;
	p2 =	slt.u32 s8, $0xFFFFF086  }
0x1c: {  	p1 =	slt.u32 s9, $0xF7A;
	s5 =	simm.s32 @!p2 $0x0  }
0x1d: {  	s5 =	simm.s32 @p1 $0x1;
	p0 =	seq.s32 s7, s2  }
0x1e: {  	s7 =	smul.u32 @!p0 $0xF7A, s2;
	p2 =	seq.s32 @!p0 s5, $0x0  }
0x1f: {  	s9 =	smul.u32 $0xF7A, s1;
	s8 =	simm.s32 @!p0 $0x1BF5;
	p2 =	por !p2, p0  }
0x20: {  	[sflag:s8] =	ssyncset.s32 @!p0 $0xFFFFF086;
	s6 =	sadd.s32 @!p0 s3, s7;
	s7 =	simm.s32 @!p0 $0x108  }
0x21: {  	s3 =	sadd.s32 s3, s9;
	s6 =	sadd.s32 @!p0 $0x88, s6;
	s7 =	simm.s32 @p2 $0x1082  }
0x22: {  	[simem:s7], [sflag:s8] =	dma.local @!p0 [hbm:s6], $0xF7A  }
0x23: {  	s9 =	sor.u32 $0xD0000000, s2;
	s6 =	simm.s32 $0x108;
	_ =	swait.ge @!p0 [sflag:s8], $0x0  }
0x24: {  	s3 =	sadd.s32 $0x88, s3;
	s6 =	simm.s32 @!p1 $0x1082;
	[sflag:s4] =	ssyncset.s32 $0xFFFFF086  }
0x25: {  	[simem:s6], [sflag:s4] =	dma.local [hbm:s3], $0xF7A  }
0x26: {  	[smem:$0x3F9D] =	sst s1;
	(tag) =	ssettag s2;
	_ =	strace s9  }
0x27: {  	s1 =	sld [smem:$0x3FAD]  }
0x28: {  	s2 =	sld [smem:$0x3FAE]  }
0x29: {  	s4 =	sld [smem:$0x3FB0]  }
0x2a: {  	p0 =	seq.s32 s5, $0x0;
	s5 =	sld [smem:$0x3FB1]  }
0x2b: {  	s6 =	sld [smem:$0x3FB2]  }
0x2c: {  	s7 =	sld [smem:$0x3FB3]  }
0x2d: {  	s3 =	simm.s32 $0x108;
	s8 =	sld [smem:$0x3FB4]  }
0x2e: {  	s3 =	simm.s32 @!p0 $0x1082;
	s9 =	sld [smem:$0x3FB5]  }
0x2f: {  	lr =	sadd.s32 s0, s3;
	s0 =	sld [smem:$0x3FAC]  }
0x30: {  	s3 =	sld [smem:$0x3FAF]  }
0x31: {  	[smem:$0x3FB8] =	sst s10  }
0x32: {  	s10 =	sld [smem:$0x3FB6];
	_ =	sdelay $0x3  }
0x33: {  	p0 =	seq.s32 s10, $0x1;
	s10 =	sld [smem:$0x3FB8];
	_ =	sdelay $0x3  }
0x34: {  	[smem:$0x3FB8] =	sst s10  }
0x35: {  	s10 =	sld [smem:$0x3FB7];
	_ =	sdelay $0x3  }
0x36: {  	p1 =	seq.s32 s10, $0x1;
	s10 =	sld [smem:$0x3FB8];
	_ =	sdelay $0x3  }
0x37: {  	[smem:$0x3FB8] =	sst s10  }
0x38: {  	s10 =	sld [smem:$0x3FB9]  }
0x39: {  	_ = 	snop;
	(pc) =	sbr.ind lr, $3  }
0x3a: {  	_ = 	snop  }
0x3b: {  	_ = 	snop  }
0x3c: {  	p2 =	seq.s32 s10, $0x1;
	s10 =	sld [smem:$0x3FB8]  }
0x3d: {  	_ =	shalt  }
0x3e: {  	_ =	shalt  }
0x3f: {  	_ =	shalt  }
0x40: {  	_ =	shalt  }
0x41: {  	_ =	shalt  }
0x42: {  	_ =	shalt  }
0x43: {  	_ =	shalt  }
0x44: {  	_ =	shalt  }
0x45: {  	_ =	shalt  }
0x46: {  	_ =	shalt  }
0x47: {  	_ =	shalt  }
0x48: {  	_ =	shalt  }
0x49: {  	_ =	shalt  }
0x4a: {  	_ =	shalt  }
0x4b: {  	_ =	shalt  }
0x4c: {  	_ =	shalt  }
0x4d: {  	_ =	shalt  }
0x4e: {  	_ =	shalt  }
0x4f: {  	_ =	shalt  }
0x50: {  	_ =	shalt  }
0x51: {  	_ =	shalt  }
0x52: {  	_ =	shalt  }
0x53: {  	_ =	shalt  }
0x54: {  	_ =	shalt  }
0x55: {  	_ =	shalt  }
0x56: {  	_ =	shalt  }
0x57: {  	_ =	shalt  }
0x58: {  	_ =	shalt  }
0x59: {  	_ =	shalt  }
0x5a: {  	_ =	shalt  }
0x5b: {  	_ =	shalt  }
0x5c: {  	_ =	shalt  }
0x5d: {  	_ =	shalt  }
0x5e: {  	_ =	shalt  }
0x5f: {  	_ =	shalt  }
0x60: {  	_ =	shalt  }
0x61: {  	_ =	shalt  }
0x62: {  	_ =	shalt  }
0x63: {  	_ =	shalt  }
0x64: {  	_ =	shalt  }
0x65: {  	_ =	shalt  }
0x66: {  	_ =	shalt  }
0x67: {  	_ =	shalt  }
0x68: {  	_ =	shalt  }
0x69: {  	_ =	shalt  }
0x6a: {  	_ =	shalt  }
0x6b: {  	_ =	shalt  }
0x6c: {  	_ =	shalt  }
0x6d: {  	_ =	shalt  }
0x6e: {  	_ =	shalt  }
0x6f: {  	_ =	shalt  }
0x70: {  	_ =	shalt  }
0x71: {  	_ =	shalt  }
0x72: {  	_ =	shalt  }
0x73: {  	_ =	shalt  }
0x74: {  	_ =	shalt  }
0x75: {  	_ =	shalt  }
0x76: {  	_ =	shalt  }
0x77: {  	_ =	shalt  }
0x78: {  	_ =	shalt  }
0x79: {  	_ =	shalt  }
0x7a: {  	_ =	shalt  }
0x7b: {  	_ =	shalt  }
0x7c: {  	_ =	shalt  }
0x7d: {  	_ =	shalt  }
0x7e: {  	_ =	shalt  }
0x7f: {  	_ =	shalt  }
0x80: {  	_ =	shalt  }
0x81: {  	_ =	shalt  }
0x82: {  	_ =	shalt  }
0x83: {  	_ =	shalt  }
0x84: {  	_ =	shalt  }
0x85: {  	_ =	shalt  }
0x86: {  	_ =	shalt  }
0x87: {  	_ =	shalt  }
.Lfunc_end0:
.L_simem_size_0:
called_computation.3_lowered:
.L_overlay_start_0:
0x88: {  	s2 =	sld [smem:$0x3FD9]  }
0x89: {  	s3 =	sld [smem:$0x3FFE];
	_ =	sdelay $0x1  }
0x8a: {  	s1 =	srdreg.scid  }
0x8b: {  	s0 =	sand.u32 $0x1, s1  }
0x8c: {  	s17 =	sshll.u32 s0, $0xA;
	s2 =	sadd.s32 s3, s2  }
0x8d: {  	s2 =	sadd.s32 s2, s17  }
0x8e: {  	[smem:$0x3FC4] =	sst s2  }
0x8f: {  	_ = 	snop  }
0x90: {  	s2 =	sld [smem:$0x3FD0];
	(tm) =	ssettm $0x1  }
0x91: {  	s18 =	sld [smem:$0x3FFB];
	_ =	sdelay $0x3  }
0x92: {  	_ =	strace s18  }
0x93: {  	s3 =	sld [smem:$0x3FFC];
	_ =	sdelay $0x3  }
0x94: {  	_ =	strace s3  }
0x95: {  	s3 =	sld [smem:$0x3FFD];
	_ =	sdelay $0x3  }
0x96: {  	_ =	strace s3  }
0x97: {  	_ =	strace $0x8FFFFFFF  }
0x98: {  	s19 =	sld [smem:$0x3FDB];
	_ =	sdelay $0x1  }
0x99: {  	s4 =	simm.s32 $_scs_section_size  }
0x9a: {  	s5 =	simm.s32 $_size__tile_overlayer_lowered;
	s6 =	simm.s32 $_tile_overlayer_lowered  }
0x9b: {  	s22 =	simm.s32 $0x1BFF;
	s21 =	sshll.u32 s6, $0x1;
	s3 =	sadd.s32 s4, s19  }
0x9c: {  	s7 =	simm.s32 $0x0;
	s20 =	sshll.u32 s5, $0x1;
	s5 =	sadd.s32 s21, s3  }
0x9d: {  	[timem:s7], [sflag:s22] =	dma.local [hbm:s5], s20  }
0x9e: {  	_ =	swait.ge [sflag:s22], s20  }
0x9f: {  	s4 =	ssub.s32 $0x0, s20;
	[sflag:s22] =	ssyncset.done $0x0  }
0xa0: {  	[sflag:s22] =	ssyncadd.s32 s4;
	_ =	sdelay $0x1  }
0xa1: {  	s23 =	simm.s32 $0x1B8B  }
0xa2: {  	_ =	swait.ge [sflag:s23], $0x1  }
0xa3: {  	[sflag:s23] =	ssyncset.done $0x0  }
0xa4: {  	s25 =	simm.s32 $0x1B8E;
	s24 =	sld [smem:$0x3FFE];
	[sflag:s23] =	ssyncadd.s32 $0xFFFFFFFF  }
0xa5: {  	s26 =	simm.s32 $execute0_lowered;
	[smem:$0x3FD2] =	sst s25  }
0xa6: {  	s5 =	sshll.u32 s26, $0x1;
	_ =	strace $0x8000004F;
	[dreg:$0x1] =	wrdreg $0xFFFFFFFF  }
0xa7: {  	s28 =	simm.s32 $_size_execute0_lowered;
	s3 =	sadd.s32 s3, s5;
	[dreg:$0x0] =	wrdreg $0x0  }
0xa8: {  	s5 =	sshll.u32 s28, $0x1;
	[dreg:$0x2] =	wrdreg s3  }
0xa9: {  	[dreg:$0x3] =	wrdreg s5  }
0xaa: {  	[dreg:$0x4] =	wrdreg $0xC0  }
0xab: {  	_ =	task [dreg:s7], $0x5FFFF  }
0xac: {  	[dreg:$0x1] =	wrdreg $0xFFFFFFFF  }
0xad: {  	[dreg:$0x0] =	wrdreg $0x60  }
0xae: {  	[dreg:$0x2] =	wrdreg s24  }
0xaf: {  	[dreg:$0x3] =	wrdreg s2  }
0xb0: {  	[dreg:$0x4] =	wrdreg $0x9  }
0xb1: {  	_ =	task.clear_ibuf [dreg:s7], $0x5FFFF;
	_ =	strace $0x9000004F  }
0xb2: {  	s29 =	simm.s32 $0x9;
	_ =	strace $0x80000051  }
0xb3: {  	_ =	swait.ge [sflag:s29], $0x1  }
0xb4: {  	[sflag:s29] =	ssyncadd.s32 $0xFFFFFFFF  }
0xb5: {  	_ =	strace $0x90000051  }
0xb6: {  	_ =	sfence  }
0xb7: {  	s30 =	sld [smem:$0x0];
	_ =	sdelay $0x2  }
0xb8: {  	s31 =	sshll.u32 s1, $0xD;
	s1 =	sshrl.u32 s1, $0x2  }
0xb9: {  	s3 =	sand.u32 $0x4000, s31;
	s1 =	sadd.s32 s1, s30  }
0xba: {  	s0 =	sor.u32 s3, s0;
	s1 =	sshll.u32 s1, $0x11  }
0xbb: {  	s0 =	sor.u32 s1, s0  }
0xbc: {  	s0 =	sadd.s32 $0x8F2B, s0  }
0xbd: {  	[sflag:s0] =	ssyncadd.remote.s32 $0x1  }
0xbe: {  	_ =	sfence.sel $0xFFFF  }
0xbf: {  	[dreg:$0x0] =	wrdreg $0xFFFFFFFF;
	(pc) =	sbr.abs _section_cstart, $3  }
0xc0: {  	[dreg:$0x1] =	wrdreg $0xFFFFFFFF  }
0xc1: {  	_ =	task.clear_ibuf [dreg:s7], $0x2FFFF;
	_ =	strace $0x9FFFFFFF  }
0xc2: {  	(tm) =	ssettm $0x7FFFFFFF  }
0xc3: {  	_ =	shalt  }
tec
execute0_lowered:
.L_overlay_start_1:
0x0: {  	(tag) =	ssettag $0x1  }
0x1: {  	s0 =	srdreg.scid  }
0x2: {  	s1 =	sshll.u32 s0, $0x4  }
0x3: {  	s0 =	stileid.u32;
	s1 =	sand.u32 $0x10, s1  }
0x4: {  	s2 =	sor.u32 s0, s1  }
0x5: {  	s1 =	smin.u32 s2, $0x12  }
0x6: {  	s1 =	sadd.s32 s2, s1  }
0x7: {  	p0 =	slt.u32 s2, $0x12;
	s2 =	simm.s32 $0x140;
	s1 =	smul.u32 $0xA0, s1  }
0x8: {  	s2 =	simm.s32 @!p0 $0xA0  }
0x9: {  	s2 =	sadd.s32 s2, s1  }
0xa: {  	s3 =	smin.u32 s2, $0x1F40  }
0xb: {  	s7 =	ssub.s32 s3, s1  }
0xc: {  	p0 =	sgt.s32 s7, $0x0  }
0xd: {  	s7 =	simm.s32 @!p0 $0x0  }
0xe: {  	s9 =	rddreg [dreg:$0x0];
	s31 =	smul.u32 $0xCCCD, s7  }
0xf: {  	s4 =	rddreg [dreg:$0x1];
	s6 =	simm.s32 $0x1  }
0x10: {  	s11 =	simm.s32 $0x3;
	s13 =	simm.s32 $0x0;
	s8 =	sshrl.u32 s31, $0x17  }
0x11: {  	s12 =	simm.s32 $0x0;
	s5 =	sadd.s32 $0x3EC000, s9;
	s10 =	smul.u32 $0xA0, s8  }
.Ltmp0:
0x12: {  	s9 =	sadd.s32 $0x400, s9;
	s2 =	rddreg [dreg:$0x2];
	(pc) =	sbr.rel .LBB2_1-.Ltmp0, $4  }
0x13: {  	_ =	strace $0x80000050;
	p0 =	sne.s32 s7, s10;
	s10 =	simm.s32 $0x1  }
0x14: {  	[sflag:s6] =	ssyncpa.u1 $0x0;
	s7 =	simm.s32 $0x2;
	s10 =	simm.s32 @!p0 $0x0  }
0x15: {  	[sflag:s7] =	ssyncpa.u1 $0x0;
	p0 =	por $0x0, $0x0;
	s8 =	sadd.s32 s8, s10  }
0x16: {  	vm0 =	vmmov $0xff;
	vm1 =	vcmask $0x3F20;
	[sflag:s11] =	ssyncpa.u1 $0x0;
	s11 =	smov.u32 s1;
	s10 =	sadd.s32 $0x1, s8  }
.LBB2_6:
0x17: {  	[hbm:s17] =	stream.linear.scatter [tilespmem:s14], [sflag:$0x3], $0x400, $0x38;
	[tilespmem:$0xA140] =	vst v63  }
.LBB2_7:
0x18: {  	s13 =	sadd.s32 $0xA0, s11  }
0x19: {  	s15 =	smov.u32 s1;
	p2 =	slt.s32 s13, s3  }
0x1a: {  	s15 =	smov.u32 @p2 s13;
	p2 =	sne.s32 s12, s10  }
.Ltmp1:
0x1b: {  	p1 =	slt.u32 s12, $0x2;
	(pc) =	sbr.rel @!p2 .LBB2_8-.Ltmp1, $4  }
0x1c: {  	s14 =	simm.s32 @!p1 $0x3  }
0x1d: {  	s16 =	sadd.s32 $0x1, s12;
	_ =	swait.ge @!p1 [sflag:s14], $0x5000  }
0x1e: {  	p0 =	por !p0, !p0;
	s13 =	smov.u32 s11;
	[sflag:s14] =	ssyncset.done @!p1 $0x0  }
0x1f: {  	s12 =	smov.u32 s16;
	s11 =	smov.u32 s15;
	[sflag:s14] =	ssyncadd.s32 @!p1 $0xFFFFB000  }
.LBB2_1:
0x20: {  	p1 =	sge.u32 s12, s8  }
0x21: {  	s14 =	sxor.u32 @!p1 $0xFFFFFFFF, s12  }
0x22: {  	s14 =	sand.u32 @!p1 $0x1, s14  }
0x23: {  	s14 =	smul.u32 @!p1 $0x280, s14  }
0x24: {  	s31 =	sadd.s32 $0xFFFFFFFF, s12;
	s15 =	sshrl.u32 @!p1 s11, $0x3  }
0x25: {  	s16 =	sand.u32 @!p1 $0x7, s11;
	s15 =	sadd.s32 @!p1 s4, s15;
	s14 =	sshrl.u32 @!p1 s14, $0x2  }
0x26: {  	[tilespmem:s14], [sflag:$0x2] =	stream.linear.gather @!p1 [hbm4b:s15+s16], $0xA0, $0x38;
	[tilespmem:$0xA140] =	vst v63  }
0x27: {  	p1 =	sge.u32 s31, s8  }
.Ltmp2:
0x28: {  	_ = 	snop;
	(pc) =	sbr.rel @p1 .LBB2_7-.Ltmp2, $1  }
0x29: {  	_ =	sdelay $0x3  }
0x2a: {  	s14 =	simm.s32 $0x1  }
0x2b: {  	s14 =	simm.s32 @!p0 $0x0  }
0x2c: {  	s15 =	smul.u32 $0x280, s14  }
0x2d: {  	_ =	swait.ge [sflag:s7], $0xA0  }
0x2e: {  	[sflag:s7] =	ssyncset.done $0x0;
	s16 =	sshrl.u32 s15, $0x2  }
0x2f: {  	[sflag:s7] =	ssyncadd.s32 $0xFFFFFF60;
	s15 =	sadd.s32 $0x0, s16  }
0x30: {  	v0 =	vld.msk [tilespmem:s15+$0x0 ss:$0x1], $0xffff;
	_ =	sdelay $0x4  }
0x31: {  	v1 =	vand.u32 $0x7, v0;
	v2 =	vshll.u32 v0, $0x4  }
0x32: {  	vm2 =	veq.s32 v0, $0x80000000;
	v0 =	vmul.u32 $0x313800, v1;
	v1 =	vand.u32 $0x3FFF80, v2  }
0x33: {  	v1 =	vsel vm2, $0xFFFFFF80, v1  }
0x34: {  	v0 =	vsel vm2, $0xFFCEC800, v0;
	v2 =	vand.u32 $0xFFFFFC00, v1  }
0x35: {  	v1 =	vand.u32 $0x380, v1;
	v0 =	vadd.s32 v0, v2  }
0x36: {  	v0 =	vor.u32 v1, v0  }
0x37: {  	v0 =	vshrl.u32 v0, $0x3  }
0x38: {  	s14 =	smul.u32 $0x14000, s14;
	_ =	sdelay $0x1  }
0x39: {  	s14 =	sshrl.u32 s14, $0x2  }
0x3a: {  	s14 =	sor.u32 $0x140, s14  }
0x3b: {  	[tilespmem:s14], [sflag:$0x1] =	stream.indirect_vreg.gather [hbm:s5], $0x80, v0, vm0, $0x38;
	[tilespmem:$0xA140] =	vst v63  }
0x3c: {  	s17 =	sadd.s32 $0x10, s16;
	s15 =	sadd.s32 $0x400, s14  }
0x3d: {  	[tilespmem:s15], [sflag:$0x1] =	stream.indirect_vreg.gather [hbm:s5], $0x80, v0, vm1, $0x38;
	[tilespmem:$0xA140] =	vst v63  }
0x3e: {  	s18 =	simm.s32 $0x80;
	v0 =	vld.msk [tilespmem:s17+$0x0 ss:$0x1], $0xffff;
	s17 =	smov.u32 s14  }
.LBB2_3:
0x3f: {  	p1 =	sne.s32 s18, $0x240;
	_ =	sdelay $0x4  }
0x40: {  	v1 =	vand.u32 $0x7, v0;
	v2 =	vshll.u32 v0, $0x4  }
0x41: {  	vm2 =	veq.s32 v0, $0x80000000;
	v0 =	vmul.u32 $0x313800, v1;
	v1 =	vand.u32 $0x3FFF80, v2  }
0x42: {  	v1 =	vsel vm2, $0xFFFFFF80, v1  }
0x43: {  	v0 =	vsel vm2, $0xFFCEC800, v0;
	v2 =	vand.u32 $0xFFFFFC00, v1  }
0x44: {  	v1 =	vand.u32 $0x380, v1;
	v0 =	vadd.s32 v0, v2  }
0x45: {  	v0 =	vor.u32 v1, v0  }
0x46: {  	v0 =	vshrl.u32 v0, $0x3;
	_ =	sdelay $0x3  }
.Ltmp3:
0x47: {  	s19 =	sshra.s32 s18, $0x2;
	s17 =	sadd.s32 $0x800, s17;
	(pc) =	sbr.rel @p1 .LBB2_3-.Ltmp3, $4  }
0x48: {  	[tilespmem:s17], [sflag:$0x1] =	stream.indirect_vreg.gather [hbm:s5], $0x80, v0, vm0, $0x38;
	[tilespmem:$0xA140] =	vst v63  }
0x49: {  	s19 =	sadd.s32 s19, s16;
	s20 =	sadd.s32 $0x400, s17  }
0x4a: {  	[tilespmem:s20], [sflag:$0x1] =	stream.indirect_vreg.gather [hbm:s5], $0x80, v0, vm1, $0x38;
	[tilespmem:$0xA140] =	vst v63  }
0x4b: {  	s18 =	sadd.s32 $0x40, s18;
	v0 =	vld.msk [tilespmem:s19+$0x0 ss:$0x1], $0xffff  }
0x4c: {  	_ =	sdelay $0x3  }
0x4d: {  	v1 =	vand.u32 $0x7, v0;
	v2 =	vshll.u32 v0, $0x4  }
0x4e: {  	vm2 =	veq.s32 v0, $0x80000000;
	v61 =	vmul.u32 $0x313800, v1;
	v62 =	vand.u32 $0x3FFF80, v2  }
0x4f: {  	v1 =	vsel vm2, $0xFFFFFF80, v62  }
0x50: {  	v0 =	vsel vm2, $0xFFCEC800, v61;
	v63 =	vand.u32 $0xFFFFFC00, v1  }
0x51: {  	v1 =	vand.u32 $0x380, v1;
	v0 =	vadd.s32 v0, v63  }
0x52: {  	v0 =	vor.u32 v1, v0  }
0x53: {  	v0 =	vshrl.u32 v0, $0x3;
	_ =	sdelay $0x3  }
0x54: {  	s16 =	sadd.s32 $0x800, s17  }
0x55: {  	[tilespmem:s16], [sflag:$0x1] =	stream.indirect_vreg.gather [hbm:s5], $0x80, v0, vm0, $0x38;
	[tilespmem:$0xA140] =	vst v63  }
0x56: {  	s16 =	sadd.s32 $0x400, s16  }
0x57: {  	[tilespmem:s16], [sflag:$0x1] =	stream.indirect_vreg.gather [hbm:s5], $0x80, v0, vm1, $0x38;
	[tilespmem:$0xA140] =	vst v63  }
0x58: {  	s13 =	sshll.u32 s13, $0x4;
	_ =	swait.ge [sflag:s6], $0x5000  }
0x59: {  	s13 =	sadd.s32 s13, s9;
	[sflag:s6] =	ssyncset.done $0x0  }
0x5a: {  	s17 =	sadd.s32 $0x0, s13;
	s16 =	simm.s32 $0x80;
	[sflag:s6] =	ssyncadd.s32 $0xFFFFB000  }
.LBB2_5:
0x5b: {  	[hbm:s17] =	stream.linear.scatter [tilespmem:s14], [sflag:$0x3], $0x400, $0x38;
	[tilespmem:$0xA140] =	vst v63  }
0x5c: {  	s17 =	smov.u32 s16;
	s14 =	smov.u32 s15;
	p1 =	sne.s32 s16, $0x980  }
.Ltmp4:
0x5d: {  	s16 =	sadd.s32 $0x80, s16;
	(pc) =	sbr.rel @p1 .LBB2_5-.Ltmp4, $2  }
0x5e: {  	_ =	sdelay $0x2  }
0x5f: {  	s15 =	sadd.s32 $0x400, s15;
	s17 =	sadd.s32 s17, s13  }
.Ltmp5:
0x60: {  	_ = 	snop;
	(pc) =	sbr.rel .LBB2_6-.Ltmp5, $1  }
0x61: {  	_ =	sdelay $0x3  }
.LBB2_8:
0x62: {  	_ =	sfence.sel $0x180000  }
0x63: {  	s1 =	simm.s32 $0x2;
	[bflag:$0x0] =	sbarrier.arrive $0xFFFF  }
0x64: {  	s30 =	simm.s32 $0x3;
	[sflag:s1] =	ssyncpa.u1 $0x1  }
0x65: {  	s31 =	simm.s32 $0x1;
	[sflag:s30] =	ssyncpa.u1 $0x1  }
0x66: {  	[sflag:s31] =	ssyncpa.u1 $0x1  }
0x67: {  	p0 =	sne.s32 s0, $0x0;
	_ =	strace $0x90000050  }
0x68: {  	s0 =	sadd.s32 @!p0 $0x100000, s2;
	[bflag:$0x2] =	sbarrier.arrive $0xFFFF  }
0x69: {  	[sflag:s0] =	ssyncadd.tile.s32 @!p0 $0x1;
	_ =	shalt  }
.Lfunc_end2:
_tile_overlayer_lowered:
.L_overlay_start_2:
0x6a: {  	(tag) =	ssettag $0x2  }
0x6b: {  	s0 =	rddreg [dreg:$0x0];
	s2 =	stileid.u32  }
0x6c: {  	s1 =	rddreg [dreg:$0x1];
	p0 =	sne.s32 s2, $0x0  }
0x6d: {  	s3 =	rddreg [dreg:$0x2];
	[bflag:$0x3] =	sbarrier.arrive $0xFFFF;
	s2 =	simm.s32 @!p0 $0x1C01  }
0x6e: {  	[timem:s3], [sflag:s2] =	dma.local @!p0 [hbm:s0], s1  }
0x6f: {  	s0 =	simm.s32 @!p0 $0x1  }
0x70: {  	_ =	swait.ge @!p0 [sflag:s0], s1  }
0x71: {  	s1 =	ssub.s32 @!p0 $0x0, s1;
	[sflag:s0] =	ssyncset.done @!p0 $0x0  }
0x72: {  	[sflag:s0] =	ssyncadd.s32 @!p0 s1  }
0x73: {  	[bflag:$0x3] =	sbarrier.arrive $0xFFFF  }
0x74: {  	_ =	shalt  }

// kernel: gather_offload_async_start.4
scs
__scs_entry_jumppad:
0x0: {  	(pc) =	sbr.rel $0x88, $3  }
0x1: {  	(tag) =	ssettag $0x0;
	lr =	simm.s32 $0x1  }
0x2: {  	[smem:$0x3F9D] =	sst lr;
	_ =	strace $0xD0000000  }
0x3: {  	_ = 	snop  }
0x4: {  	_ = 	snop  }
0x5: {  	_ = 	snop  }
0x6: {  	_ = 	snop  }
0x7: {  	_ = 	snop  }
__scs_overlays_trampoline_lowered:
0x8: {  	[smem:$0x3FAC] =	sst s0  }
0x9: {  	[smem:$0x3FAD] =	sst s1  }
0xa: {  	[smem:$0x3FAE] =	sst s2  }
0xb: {  	[smem:$0x3FAF] =	sst s3  }
0xc: {  	[smem:$0x3FB0] =	sst s4  }
0xd: {  	[smem:$0x3FB1] =	sst s5  }
0xe: {  	[smem:$0x3FB2] =	sst s6  }
0xf: {  	[smem:$0x3FB3] =	sst s7  }
0x10: {  	[smem:$0x3FB4] =	sst s8  }
0x11: {  	[smem:$0x3FB5] =	sst s9;
	s0 =	simm.s32 @!p0 $0x0  }
0x12: {  	s1 =	sld [smem:$0x3F9B];
	s0 =	simm.s32 @p0 $0x1  }
0x13: {  	[smem:$0x3FB6] =	sst s0;
	s0 =	simm.s32 @!p1 $0x0  }
0x14: {  	s2 =	sld [smem:$0x3F9A];
	s0 =	simm.s32 @p1 $0x1  }
0x15: {  	[smem:$0x3FB7] =	sst s0;
	s0 =	simm.s32 @!p2 $0x0  }
0x16: {  	s3 =	sld [smem:$0x3FDB];
	s0 =	simm.s32 @p2 $0x1  }
0x17: {  	s4 =	simm.s32 $0x1BF5;
	[smem:$0x3FB9] =	sst s0  }
0x18: {  	s0 =	sld [smem:$0x3F9C];
	_ =	swait.ge [sflag:s4], $0x0  }
0x19: {  	s7 =	sld [smem:$0x3F9D]  }
0x1a: {  	s8 =	sadd.s32 $0xFFFFE003, lr  }
0x1b: {  	s9 =	sadd.s32 $0xFFFFFEF7, lr;
	s5 =	simm.s32 $0xFFFFFFFF;
	p2 =	slt.u32 s8, $0xFFFFF086  }
0x1c: {  	p1 =	slt.u32 s9, $0xF7A;
	s5 =	simm.s32 @!p2 $0x0  }
0x1d: {  	s5 =	simm.s32 @p1 $0x1;
	p0 =	seq.s32 s7, s2  }
0x1e: {  	s7 =	smul.u32 @!p0 $0xF7A, s2;
	p2 =	seq.s32 @!p0 s5, $0x0  }
0x1f: {  	s9 =	smul.u32 $0xF7A, s1;
	s8 =	simm.s32 @!p0 $0x1BF5;
	p2 =	por !p2, p0  }
0x20: {  	[sflag:s8] =	ssyncset.s32 @!p0 $0xFFFFF086;
	s6 =	sadd.s32 @!p0 s3, s7;
	s7 =	simm.s32 @!p0 $0x108  }
0x21: {  	s3 =	sadd.s32 s3, s9;
	s6 =	sadd.s32 @!p0 $0x88, s6;
	s7 =	simm.s32 @p2 $0x1082  }
0x22: {  	[simem:s7], [sflag:s8] =	dma.local @!p0 [hbm:s6], $0xF7A  }
0x23: {  	s9 =	sor.u32 $0xD0000000, s2;
	s6 =	simm.s32 $0x108;
	_ =	swait.ge @!p0 [sflag:s8], $0x0  }
0x24: {  	s3 =	sadd.s32 $0x88, s3;
	s6 =	simm.s32 @!p1 $0x1082;
	[sflag:s4] =	ssyncset.s32 $0xFFFFF086  }
0x25: {  	[simem:s6], [sflag:s4] =	dma.local [hbm:s3], $0xF7A  }
0x26: {  	[smem:$0x3F9D] =	sst s1;
	(tag) =	ssettag s2;
	_ =	strace s9  }
0x27: {  	s1 =	sld [smem:$0x3FAD]  }
0x28: {  	s2 =	sld [smem:$0x3FAE]  }
0x29: {  	s4 =	sld [smem:$0x3FB0]  }
0x2a: {  	p0 =	seq.s32 s5, $0x0;
	s5 =	sld [smem:$0x3FB1]  }
0x2b: {  	s6 =	sld [smem:$0x3FB2]  }
0x2c: {  	s7 =	sld [smem:$0x3FB3]  }
0x2d: {  	s3 =	simm.s32 $0x108;
	s8 =	sld [smem:$0x3FB4]  }
0x2e: {  	s3 =	simm.s32 @!p0 $0x1082;
	s9 =	sld [smem:$0x3FB5]  }
0x2f: {  	lr =	sadd.s32 s0, s3;
	s0 =	sld [smem:$0x3FAC]  }
0x30: {  	s3 =	sld [smem:$0x3FAF]  }
0x31: {  	[smem:$0x3FB8] =	sst s10  }
0x32: {  	s10 =	sld [smem:$0x3FB6];
	_ =	sdelay $0x3  }
0x33: {  	p0 =	seq.s32 s10, $0x1;
	s10 =	sld [smem:$0x3FB8];
	_ =	sdelay $0x3  }
0x34: {  	[smem:$0x3FB8] =	sst s10  }
0x35: {  	s10 =	sld [smem:$0x3FB7];
	_ =	sdelay $0x3  }
0x36: {  	p1 =	seq.s32 s10, $0x1;
	s10 =	sld [smem:$0x3FB8];
	_ =	sdelay $0x3  }
0x37: {  	[smem:$0x3FB8] =	sst s10  }
0x38: {  	s10 =	sld [smem:$0x3FB9]  }
0x39: {  	_ = 	snop;
	(pc) =	sbr.ind lr, $3  }
0x3a: {  	_ = 	snop  }
0x3b: {  	_ = 	snop  }
0x3c: {  	p2 =	seq.s32 s10, $0x1;
	s10 =	sld [smem:$0x3FB8]  }
0x3d: {  	_ =	shalt  }
0x3e: {  	_ =	shalt  }
0x3f: {  	_ =	shalt  }
0x40: {  	_ =	shalt  }
0x41: {  	_ =	shalt  }
0x42: {  	_ =	shalt  }
0x43: {  	_ =	shalt  }
0x44: {  	_ =	shalt  }
0x45: {  	_ =	shalt  }
0x46: {  	_ =	shalt  }
0x47: {  	_ =	shalt  }
0x48: {  	_ =	shalt  }
0x49: {  	_ =	shalt  }
0x4a: {  	_ =	shalt  }
0x4b: {  	_ =	shalt  }
0x4c: {  	_ =	shalt  }
0x4d: {  	_ =	shalt  }
0x4e: {  	_ =	shalt  }
0x4f: {  	_ =	shalt  }
0x50: {  	_ =	shalt  }
0x51: {  	_ =	shalt  }
0x52: {  	_ =	shalt  }
0x53: {  	_ =	shalt  }
0x54: {  	_ =	shalt  }
0x55: {  	_ =	shalt  }
0x56: {  	_ =	shalt  }
0x57: {  	_ =	shalt  }
0x58: {  	_ =	shalt  }
0x59: {  	_ =	shalt  }
0x5a: {  	_ =	shalt  }
0x5b: {  	_ =	shalt  }
0x5c: {  	_ =	shalt  }
0x5d: {  	_ =	shalt  }
0x5e: {  	_ =	shalt  }
0x5f: {  	_ =	shalt  }
0x60: {  	_ =	shalt  }
0x61: {  	_ =	shalt  }
0x62: {  	_ =	shalt  }
0x63: {  	_ =	shalt  }
0x64: {  	_ =	shalt  }
0x65: {  	_ =	shalt  }
0x66: {  	_ =	shalt  }
0x67: {  	_ =	shalt  }
0x68: {  	_ =	shalt  }
0x69: {  	_ =	shalt  }
0x6a: {  	_ =	shalt  }
0x6b: {  	_ =	shalt  }
0x6c: {  	_ =	shalt  }
0x6d: {  	_ =	shalt  }
0x6e: {  	_ =	shalt  }
0x6f: {  	_ =	shalt  }
0x70: {  	_ =	shalt  }
0x71: {  	_ =	shalt  }
0x72: {  	_ =	shalt  }
0x73: {  	_ =	shalt  }
0x74: {  	_ =	shalt  }
0x75: {  	_ =	shalt  }
0x76: {  	_ =	shalt  }
0x77: {  	_ =	shalt  }
0x78: {  	_ =	shalt  }
0x79: {  	_ =	shalt  }
0x7a: {  	_ =	shalt  }
0x7b: {  	_ =	shalt  }
0x7c: {  	_ =	shalt  }
0x7d: {  	_ =	shalt  }
0x7e: {  	_ =	shalt  }
0x7f: {  	_ =	shalt  }
0x80: {  	_ =	shalt  }
0x81: {  	_ =	shalt  }
0x82: {  	_ =	shalt  }
0x83: {  	_ =	shalt  }
0x84: {  	_ =	shalt  }
0x85: {  	_ =	shalt  }
0x86: {  	_ =	shalt  }
0x87: {  	_ =	shalt  }
.Lfunc_end0:
.L_simem_size_0:
called_computation.4_lowered:
.L_overlay_start_0:
0x88: {  	s2 =	sld [smem:$0x3FD9]  }
0x89: {  	s3 =	sld [smem:$0x3FFE];
	_ =	sdelay $0x1  }
0x8a: {  	s1 =	srdreg.scid  }
0x8b: {  	s0 =	sand.u32 $0x1, s1  }
0x8c: {  	s17 =	sshll.u32 s0, $0xA;
	s2 =	sadd.s32 s3, s2  }
0x8d: {  	s2 =	sadd.s32 s2, s17  }
0x8e: {  	[smem:$0x3FC4] =	sst s2  }
0x8f: {  	_ = 	snop  }
0x90: {  	s2 =	sld [smem:$0x3FD0];
	(tm) =	ssettm $0x1  }
0x91: {  	s18 =	sld [smem:$0x3FFB];
	_ =	sdelay $0x3  }
0x92: {  	_ =	strace s18  }
0x93: {  	s3 =	sld [smem:$0x3FFC];
	_ =	sdelay $0x3  }
0x94: {  	_ =	strace s3  }
0x95: {  	s3 =	sld [smem:$0x3FFD];
	_ =	sdelay $0x3  }
0x96: {  	_ =	strace s3  }
0x97: {  	_ =	strace $0x8FFFFFFF  }
0x98: {  	s19 =	sld [smem:$0x3FDB];
	_ =	sdelay $0x1  }
0x99: {  	s4 =	simm.s32 $_scs_section_size  }
0x9a: {  	s5 =	simm.s32 $_size__tile_overlayer_lowered;
	s6 =	simm.s32 $_tile_overlayer_lowered  }
0x9b: {  	s22 =	simm.s32 $0x1BFF;
	s21 =	sshll.u32 s6, $0x1;
	s3 =	sadd.s32 s4, s19  }
0x9c: {  	s7 =	simm.s32 $0x0;
	s20 =	sshll.u32 s5, $0x1;
	s5 =	sadd.s32 s21, s3  }
0x9d: {  	[timem:s7], [sflag:s22] =	dma.local [hbm:s5], s20  }
0x9e: {  	_ =	swait.ge [sflag:s22], s20  }
0x9f: {  	s4 =	ssub.s32 $0x0, s20;
	[sflag:s22] =	ssyncset.done $0x0  }
0xa0: {  	[sflag:s22] =	ssyncadd.s32 s4;
	_ =	sdelay $0x1  }
0xa1: {  	s23 =	simm.s32 $0x1B8B  }
0xa2: {  	_ =	swait.ge [sflag:s23], $0x1  }
0xa3: {  	[sflag:s23] =	ssyncset.done $0x0  }
0xa4: {  	s25 =	simm.s32 $0x1B8E;
	s24 =	sld [smem:$0x3FFE];
	[sflag:s23] =	ssyncadd.s32 $0xFFFFFFFF  }
0xa5: {  	s26 =	simm.s32 $execute0_lowered;
	[smem:$0x3FD2] =	sst s25  }
0xa6: {  	s5 =	sshll.u32 s26, $0x1;
	_ =	strace $0x80000055;
	[dreg:$0x1] =	wrdreg $0xFFFFFFFF  }
0xa7: {  	s28 =	simm.s32 $_size_execute0_lowered;
	s3 =	sadd.s32 s3, s5;
	[dreg:$0x0] =	wrdreg $0x0  }
0xa8: {  	s5 =	sshll.u32 s28, $0x1;
	[dreg:$0x2] =	wrdreg s3  }
0xa9: {  	[dreg:$0x3] =	wrdreg s5  }
0xaa: {  	[dreg:$0x4] =	wrdreg $0xC0  }
0xab: {  	_ =	task [dreg:s7], $0x5FFFF  }
0xac: {  	[dreg:$0x1] =	wrdreg $0xFFFFFFFF  }
0xad: {  	[dreg:$0x0] =	wrdreg $0x60  }
0xae: {  	[dreg:$0x2] =	wrdreg s24  }
0xaf: {  	[dreg:$0x3] =	wrdreg s2  }
0xb0: {  	[dreg:$0x4] =	wrdreg $0x9  }
0xb1: {  	_ =	task.clear_ibuf [dreg:s7], $0x5FFFF;
	_ =	strace $0x90000055  }
0xb2: {  	s29 =	simm.s32 $0x9;
	_ =	strace $0x80000057  }
0xb3: {  	_ =	swait.ge [sflag:s29], $0x1  }
0xb4: {  	[sflag:s29] =	ssyncadd.s32 $0xFFFFFFFF  }
0xb5: {  	_ =	strace $0x90000057  }
0xb6: {  	_ =	sfence  }
0xb7: {  	s30 =	sld [smem:$0x0];
	_ =	sdelay $0x2  }
0xb8: {  	s31 =	sshll.u32 s1, $0xD;
	s1 =	sshrl.u32 s1, $0x2  }
0xb9: {  	s3 =	sand.u32 $0x4000, s31;
	s1 =	sadd.s32 s1, s30  }
0xba: {  	s0 =	sor.u32 s3, s0;
	s1 =	sshll.u32 s1, $0x11  }
0xbb: {  	s0 =	sor.u32 s1, s0  }
0xbc: {  	s0 =	sadd.s32 $0x8F2B, s0  }
0xbd: {  	[sflag:s0] =	ssyncadd.remote.s32 $0x1  }
0xbe: {  	_ =	sfence.sel $0xFFFF  }
0xbf: {  	[dreg:$0x0] =	wrdreg $0xFFFFFFFF;
	(pc) =	sbr.abs _section_cstart, $3  }
0xc0: {  	[dreg:$0x1] =	wrdreg $0xFFFFFFFF  }
0xc1: {  	_ =	task.clear_ibuf [dreg:s7], $0x2FFFF;
	_ =	strace $0x9FFFFFFF  }
0xc2: {  	(tm) =	ssettm $0x7FFFFFFF  }
0xc3: {  	_ =	shalt  }
tec
execute0_lowered:
.L_overlay_start_1:
0x0: {  	(tag) =	ssettag $0x1  }
0x1: {  	s0 =	srdreg.scid  }
0x2: {  	s1 =	sshll.u32 s0, $0x4  }
0x3: {  	s0 =	stileid.u32;
	s1 =	sand.u32 $0x10, s1  }
0x4: {  	s2 =	sor.u32 s0, s1  }
0x5: {  	s1 =	smin.u32 s2, $0x1C  }
0x6: {  	s1 =	sadd.s32 s2, s1  }
0x7: {  	p0 =	slt.u32 s2, $0x1C;
	s2 =	simm.s32 $0x50;
	s1 =	smul.u32 $0x28, s1  }
0x8: {  	s2 =	simm.s32 @!p0 $0x28  }
0x9: {  	s2 =	sadd.s32 s2, s1  }
0xa: {  	s3 =	smin.u32 s2, $0x960  }
0xb: {  	s7 =	ssub.s32 s3, s1  }
0xc: {  	p0 =	sgt.s32 s7, $0x0  }
0xd: {  	s7 =	simm.s32 @!p0 $0x0  }
0xe: {  	s4 =	rddreg [dreg:$0x0];
	s31 =	smul.u32 $0xCCCD, s7  }
0xf: {  	s5 =	rddreg [dreg:$0x1]  }
0x10: {  	s6 =	simm.s32 $0x1;
	s10 =	simm.s32 $0x3;
	s8 =	sshrl.u32 s31, $0x15  }
0x11: {  	s13 =	simm.s32 $0x0;
	s12 =	simm.s32 $0x0;
	s9 =	smul.u32 $0x28, s8  }
.Ltmp0:
0x12: {  	s11 =	smov.u32 s1;
	s2 =	rddreg [dreg:$0x2];
	(pc) =	sbr.rel .LBB2_1-.Ltmp0, $4  }
0x13: {  	_ =	strace $0x80000056;
	p0 =	sne.s32 s7, s9;
	s9 =	simm.s32 $0x1  }
0x14: {  	[sflag:s6] =	ssyncpa.u1 $0x0;
	s7 =	simm.s32 $0x2;
	s9 =	simm.s32 @!p0 $0x0  }
0x15: {  	[sflag:s7] =	ssyncpa.u1 $0x0;
	p0 =	por $0x0, $0x0;
	s8 =	sadd.s32 s8, s9  }
0x16: {  	vm0 =	vmmov $0xff;
	vm1 =	vcmask $0x3F20;
	s9 =	sadd.s32 $0x1F800, s4;
	[sflag:s10] =	ssyncpa.u1 $0x0;
	s10 =	sadd.s32 $0x1, s8  }
.LBB2_6:
0x17: {  	[hbm:s17] =	stream.linear.scatter [tilespmem:s14], [sflag:$0x3], $0x400, $0x38;
	[tilespmem:$0x2850] =	vst v63  }
.LBB2_7:
0x18: {  	s13 =	sadd.s32 $0x28, s11  }
0x19: {  	s15 =	smov.u32 s1;
	p2 =	slt.s32 s13, s3  }
0x1a: {  	s15 =	smov.u32 @p2 s13;
	p2 =	sne.s32 s12, s10  }
.Ltmp1:
0x1b: {  	p1 =	slt.u32 s12, $0x2;
	(pc) =	sbr.rel @!p2 .LBB2_8-.Ltmp1, $4  }
0x1c: {  	s14 =	simm.s32 @!p1 $0x3  }
0x1d: {  	s16 =	sadd.s32 $0x1, s12;
	_ =	swait.ge @!p1 [sflag:s14], $0x1400  }
0x1e: {  	p0 =	por !p0, !p0;
	s13 =	smov.u32 s11;
	[sflag:s14] =	ssyncset.done @!p1 $0x0  }
0x1f: {  	s12 =	smov.u32 s16;
	s11 =	smov.u32 s15;
	[sflag:s14] =	ssyncadd.s32 @!p1 $0xFFFFEC00  }
.LBB2_1:
0x20: {  	p1 =	sge.u32 s12, s8  }
0x21: {  	s14 =	sxor.u32 @!p1 $0xFFFFFFFF, s12  }
0x22: {  	s14 =	sand.u32 @!p1 $0x1, s14  }
0x23: {  	s14 =	smul.u32 @!p1 $0xA0, s14  }
0x24: {  	s31 =	sadd.s32 $0xFFFFFFFF, s12;
	s15 =	sshrl.u32 @!p1 s11, $0x3  }
0x25: {  	s16 =	sand.u32 @!p1 $0x7, s11;
	s15 =	sadd.s32 @!p1 s5, s15;
	s14 =	sshrl.u32 @!p1 s14, $0x2  }
0x26: {  	[tilespmem:s14], [sflag:$0x2] =	stream.linear.gather @!p1 [hbm4b:s15+s16], $0x28, $0x38;
	[tilespmem:$0x2850] =	vst v63  }
0x27: {  	p1 =	sge.u32 s31, s8  }
.Ltmp2:
0x28: {  	_ = 	snop;
	(pc) =	sbr.rel @p1 .LBB2_7-.Ltmp2, $1  }
0x29: {  	_ =	sdelay $0x3  }
0x2a: {  	s15 =	sand.u32 $0x1, s12  }
0x2b: {  	s14 =	simm.s32 $0x1;
	s16 =	smul.u32 $0xA0, s15  }
0x2c: {  	s14 =	simm.s32 @!p0 $0x0;
	s15 =	smul.u32 $0x5000, s15  }
0x2d: {  	_ =	swait.ge [sflag:s7], $0x28;
	s14 =	smul.u32 $0x5000, s14  }
0x2e: {  	s18 =	simm.s32 $0x0;
	p1 =	por $0x1, $0x1;
	[sflag:s7] =	ssyncset.done $0x0  }
0x2f: {  	[sflag:s7] =	ssyncadd.s32 $0xFFFFFFD8;
	s15 =	sshrl.u32 s15, $0x2;
	s14 =	sshrl.u32 s14, $0x2  }
0x30: {  	s16 =	sshrl.u32 s16, $0x2;
	s17 =	sor.u32 $0x50, s15;
	s14 =	sor.u32 $0x50, s14  }
.LBB2_3:
0x31: {  	s19 =	sshll.u32 s18, $0x4  }
0x32: {  	s19 =	sand.u32 $0x3FFFFFF0, s19  }
0x33: {  	s19 =	sadd.s32 s19, s16  }
0x34: {  	v0 =	vld.msk [tilespmem:s19+$0x0 ss:$0x1], $0xffff;
	_ =	sdelay $0x4  }
0x35: {  	v1 =	vand.u32 $0x7, v0;
	v2 =	vshll.u32 v0, $0x4  }
0x36: {  	vm2 =	veq.s32 v0, $0x80000000;
	v61 =	vmul.u32 $0x1F400, v1;
	v62 =	vand.u32 $0x1FF80, v2  }
0x37: {  	v1 =	vsel vm2, $0xFFFFFF80, v62  }
0x38: {  	v0 =	vsel vm2, $0xFFFE0C00, v61;
	v63 =	vand.u32 $0xFFFFFC00, v1  }
0x39: {  	v1 =	vand.u32 $0x380, v1;
	v0 =	vadd.s32 v0, v63  }
0x3a: {  	v0 =	vor.u32 v1, v0  }
0x3b: {  	v0 =	vshrl.u32 v0, $0x3;
	_ =	sdelay $0x1  }
0x3c: {  	s31 =	sshll.u32 s18, $0xB  }
0x3d: {  	p2 =	por p1, p1;
	s18 =	sand.u32 $0x3FFFF800, s31  }
.Ltmp3:
0x3e: {  	s18 =	sadd.s32 s18, s17;
	(pc) =	sbr.rel @p2 .LBB2_3-.Ltmp3, $4  }
0x3f: {  	[tilespmem:s18], [sflag:$0x1] =	stream.indirect_vreg.gather [hbm:s9], $0x80, v0, vm0, $0x38;
	[tilespmem:$0x2850] =	vst v63  }
0x40: {  	s18 =	sadd.s32 $0x400, s18  }
0x41: {  	[tilespmem:s18], [sflag:$0x1] =	stream.indirect_vreg.gather [hbm:s9], $0x80, v0, vm1, $0x38;
	[tilespmem:$0x2850] =	vst v63  }
0x42: {  	p1 =	por $0x0, $0x0;
	s18 =	simm.s32 $0x1  }
0x43: {  	v0 =	vld.msk [tilespmem:s16+$0x20 ss:$0x1], $0xff;
	_ =	sdelay $0x4  }
0x44: {  	v1 =	vand.u32 $0x7, v0;
	v2 =	vshll.u32 v0, $0x4  }
0x45: {  	vm2 =	veq.s32 v0, $0x80000000;
	v61 =	vmul.u32 $0x1F400, v1;
	v62 =	vand.u32 $0x1FF80, v2  }
0x46: {  	v1 =	vsel vm2, $0xFFFFFF80, v62  }
0x47: {  	v0 =	vsel vm2, $0xFFFE0C00, v61;
	v63 =	vand.u32 $0xFFFFFC00, v1  }
0x48: {  	v1 =	vand.u32 $0x380, v1;
	v0 =	vadd.s32 v0, v63  }
0x49: {  	v0 =	vor.u32 v1, v0  }
0x4a: {  	v0 =	vshrl.u32 v0, $0x3;
	_ =	sdelay $0x3  }
0x4b: {  	s15 =	sadd.s32 $0x1050, s15  }
0x4c: {  	[tilespmem:s15], [sflag:$0x1] =	stream.indirect_vreg.gather [hbm:s9], $0x80, v0, vm0, $0x38;
	[tilespmem:$0x2850] =	vst v63  }
0x4d: {  	s13 =	sshll.u32 s13, $0x4;
	_ =	swait.ge [sflag:s6], $0x1400  }
0x4e: {  	s16 =	sadd.s32 $0x400, s14;
	s13 =	sadd.s32 s13, s4;
	[sflag:s6] =	ssyncset.done $0x0  }
0x4f: {  	s17 =	sadd.s32 $0x0, s13;
	s15 =	simm.s32 $0x80;
	[sflag:s6] =	ssyncadd.s32 $0xFFFFEC00  }
.LBB2_5:
0x50: {  	[hbm:s17] =	stream.linear.scatter [tilespmem:s14], [sflag:$0x3], $0x400, $0x38;
	[tilespmem:$0x2850] =	vst v63  }
0x51: {  	s17 =	smov.u32 s15;
	s14 =	smov.u32 s16;
	p1 =	sne.s32 s15, $0x200  }
.Ltmp4:
0x52: {  	s15 =	sadd.s32 $0x80, s15;
	(pc) =	sbr.rel @p1 .LBB2_5-.Ltmp4, $2  }
0x53: {  	_ =	sdelay $0x2  }
0x54: {  	s16 =	sadd.s32 $0x400, s16;
	s17 =	sadd.s32 s17, s13  }
.Ltmp5:
0x55: {  	_ = 	snop;
	(pc) =	sbr.rel .LBB2_6-.Ltmp5, $1  }
0x56: {  	_ =	sdelay $0x3  }
.LBB2_8:
0x57: {  	_ =	sfence.sel $0x180000  }
0x58: {  	s1 =	simm.s32 $0x2;
	[bflag:$0x0] =	sbarrier.arrive $0xFFFF  }
0x59: {  	s30 =	simm.s32 $0x3;
	[sflag:s1] =	ssyncpa.u1 $0x1  }
0x5a: {  	s31 =	simm.s32 $0x1;
	[sflag:s30] =	ssyncpa.u1 $0x1  }
0x5b: {  	[sflag:s31] =	ssyncpa.u1 $0x1  }
0x5c: {  	p0 =	sne.s32 s0, $0x0;
	_ =	strace $0x90000056  }
0x5d: {  	s0 =	sadd.s32 @!p0 $0x100000, s2;
	[bflag:$0x2] =	sbarrier.arrive $0xFFFF  }
0x5e: {  	[sflag:s0] =	ssyncadd.tile.s32 @!p0 $0x1;
	_ =	shalt  }
.Lfunc_end2:
_tile_overlayer_lowered:
.L_overlay_start_2:
0x5f: {  	(tag) =	ssettag $0x2  }
0x60: {  	s0 =	rddreg [dreg:$0x0];
	s2 =	stileid.u32  }
0x61: {  	s1 =	rddreg [dreg:$0x1];
	p0 =	sne.s32 s2, $0x0  }
0x62: {  	s3 =	rddreg [dreg:$0x2];
	[bflag:$0x3] =	sbarrier.arrive $0xFFFF;
	s2 =	simm.s32 @!p0 $0x1C01  }
0x63: {  	[timem:s3], [sflag:s2] =	dma.local @!p0 [hbm:s0], s1  }
0x64: {  	s0 =	simm.s32 @!p0 $0x1  }
0x65: {  	_ =	swait.ge @!p0 [sflag:s0], s1  }
0x66: {  	s1 =	ssub.s32 @!p0 $0x0, s1;
	[sflag:s0] =	ssyncset.done @!p0 $0x0  }
0x67: {  	[sflag:s0] =	ssyncadd.s32 @!p0 s1  }
0x68: {  	[bflag:$0x3] =	sbarrier.arrive $0xFFFF  }
0x69: {  	_ =	shalt  }

// kernel: gather_offload_async_start.5
scs
__scs_entry_jumppad:
0x0: {  	(pc) =	sbr.rel $0x88, $3  }
0x1: {  	(tag) =	ssettag $0x0;
	lr =	simm.s32 $0x1  }
0x2: {  	[smem:$0x3F9D] =	sst lr;
	_ =	strace $0xD0000000  }
0x3: {  	_ = 	snop  }
0x4: {  	_ = 	snop  }
0x5: {  	_ = 	snop  }
0x6: {  	_ = 	snop  }
0x7: {  	_ = 	snop  }
__scs_overlays_trampoline_lowered:
0x8: {  	[smem:$0x3FAC] =	sst s0  }
0x9: {  	[smem:$0x3FAD] =	sst s1  }
0xa: {  	[smem:$0x3FAE] =	sst s2  }
0xb: {  	[smem:$0x3FAF] =	sst s3  }
0xc: {  	[smem:$0x3FB0] =	sst s4  }
0xd: {  	[smem:$0x3FB1] =	sst s5  }
0xe: {  	[smem:$0x3FB2] =	sst s6  }
0xf: {  	[smem:$0x3FB3] =	sst s7  }
0x10: {  	[smem:$0x3FB4] =	sst s8  }
0x11: {  	[smem:$0x3FB5] =	sst s9;
	s0 =	simm.s32 @!p0 $0x0  }
0x12: {  	s1 =	sld [smem:$0x3F9B];
	s0 =	simm.s32 @p0 $0x1  }
0x13: {  	[smem:$0x3FB6] =	sst s0;
	s0 =	simm.s32 @!p1 $0x0  }
0x14: {  	s2 =	sld [smem:$0x3F9A];
	s0 =	simm.s32 @p1 $0x1  }
0x15: {  	[smem:$0x3FB7] =	sst s0;
	s0 =	simm.s32 @!p2 $0x0  }
0x16: {  	s3 =	sld [smem:$0x3FDB];
	s0 =	simm.s32 @p2 $0x1  }
0x17: {  	s4 =	simm.s32 $0x1BF5;
	[smem:$0x3FB9] =	sst s0  }
0x18: {  	s0 =	sld [smem:$0x3F9C];
	_ =	swait.ge [sflag:s4], $0x0  }
0x19: {  	s7 =	sld [smem:$0x3F9D]  }
0x1a: {  	s8 =	sadd.s32 $0xFFFFE003, lr  }
0x1b: {  	s9 =	sadd.s32 $0xFFFFFEF7, lr;
	s5 =	simm.s32 $0xFFFFFFFF;
	p2 =	slt.u32 s8, $0xFFFFF086  }
0x1c: {  	p1 =	slt.u32 s9, $0xF7A;
	s5 =	simm.s32 @!p2 $0x0  }
0x1d: {  	s5 =	simm.s32 @p1 $0x1;
	p0 =	seq.s32 s7, s2  }
0x1e: {  	s7 =	smul.u32 @!p0 $0xF7A, s2;
	p2 =	seq.s32 @!p0 s5, $0x0  }
0x1f: {  	s9 =	smul.u32 $0xF7A, s1;
	s8 =	simm.s32 @!p0 $0x1BF5;
	p2 =	por !p2, p0  }
0x20: {  	[sflag:s8] =	ssyncset.s32 @!p0 $0xFFFFF086;
	s6 =	sadd.s32 @!p0 s3, s7;
	s7 =	simm.s32 @!p0 $0x108  }
0x21: {  	s3 =	sadd.s32 s3, s9;
	s6 =	sadd.s32 @!p0 $0x88, s6;
	s7 =	simm.s32 @p2 $0x1082  }
0x22: {  	[simem:s7], [sflag:s8] =	dma.local @!p0 [hbm:s6], $0xF7A  }
0x23: {  	s9 =	sor.u32 $0xD0000000, s2;
	s6 =	simm.s32 $0x108;
	_ =	swait.ge @!p0 [sflag:s8], $0x0  }
0x24: {  	s3 =	sadd.s32 $0x88, s3;
	s6 =	simm.s32 @!p1 $0x1082;
	[sflag:s4] =	ssyncset.s32 $0xFFFFF086  }
0x25: {  	[simem:s6], [sflag:s4] =	dma.local [hbm:s3], $0xF7A  }
0x26: {  	[smem:$0x3F9D] =	sst s1;
	(tag) =	ssettag s2;
	_ =	strace s9  }
0x27: {  	s1 =	sld [smem:$0x3FAD]  }
0x28: {  	s2 =	sld [smem:$0x3FAE]  }
0x29: {  	s4 =	sld [smem:$0x3FB0]  }
0x2a: {  	p0 =	seq.s32 s5, $0x0;
	s5 =	sld [smem:$0x3FB1]  }
0x2b: {  	s6 =	sld [smem:$0x3FB2]  }
0x2c: {  	s7 =	sld [smem:$0x3FB3]  }
0x2d: {  	s3 =	simm.s32 $0x108;
	s8 =	sld [smem:$0x3FB4]  }
0x2e: {  	s3 =	simm.s32 @!p0 $0x1082;
	s9 =	sld [smem:$0x3FB5]  }
0x2f: {  	lr =	sadd.s32 s0, s3;
	s0 =	sld [smem:$0x3FAC]  }
0x30: {  	s3 =	sld [smem:$0x3FAF]  }
0x31: {  	[smem:$0x3FB8] =	sst s10  }
0x32: {  	s10 =	sld [smem:$0x3FB6];
	_ =	sdelay $0x3  }
0x33: {  	p0 =	seq.s32 s10, $0x1;
	s10 =	sld [smem:$0x3FB8];
	_ =	sdelay $0x3  }
0x34: {  	[smem:$0x3FB8] =	sst s10  }
0x35: {  	s10 =	sld [smem:$0x3FB7];
	_ =	sdelay $0x3  }
0x36: {  	p1 =	seq.s32 s10, $0x1;
	s10 =	sld [smem:$0x3FB8];
	_ =	sdelay $0x3  }
0x37: {  	[smem:$0x3FB8] =	sst s10  }
0x38: {  	s10 =	sld [smem:$0x3FB9]  }
0x39: {  	_ = 	snop;
	(pc) =	sbr.ind lr, $3  }
0x3a: {  	_ = 	snop  }
0x3b: {  	_ = 	snop  }
0x3c: {  	p2 =	seq.s32 s10, $0x1;
	s10 =	sld [smem:$0x3FB8]  }
0x3d: {  	_ =	shalt  }
0x3e: {  	_ =	shalt  }
0x3f: {  	_ =	shalt  }
0x40: {  	_ =	shalt  }
0x41: {  	_ =	shalt  }
0x42: {  	_ =	shalt  }
0x43: {  	_ =	shalt  }
0x44: {  	_ =	shalt  }
0x45: {  	_ =	shalt  }
0x46: {  	_ =	shalt  }
0x47: {  	_ =	shalt  }
0x48: {  	_ =	shalt  }
0x49: {  	_ =	shalt  }
0x4a: {  	_ =	shalt  }
0x4b: {  	_ =	shalt  }
0x4c: {  	_ =	shalt  }
0x4d: {  	_ =	shalt  }
0x4e: {  	_ =	shalt  }
0x4f: {  	_ =	shalt  }
0x50: {  	_ =	shalt  }
0x51: {  	_ =	shalt  }
0x52: {  	_ =	shalt  }
0x53: {  	_ =	shalt  }
0x54: {  	_ =	shalt  }
0x55: {  	_ =	shalt  }
0x56: {  	_ =	shalt  }
0x57: {  	_ =	shalt  }
0x58: {  	_ =	shalt  }
0x59: {  	_ =	shalt  }
0x5a: {  	_ =	shalt  }
0x5b: {  	_ =	shalt  }
0x5c: {  	_ =	shalt  }
0x5d: {  	_ =	shalt  }
0x5e: {  	_ =	shalt  }
0x5f: {  	_ =	shalt  }
0x60: {  	_ =	shalt  }
0x61: {  	_ =	shalt  }
0x62: {  	_ =	shalt  }
0x63: {  	_ =	shalt  }
0x64: {  	_ =	shalt  }
0x65: {  	_ =	shalt  }
0x66: {  	_ =	shalt  }
0x67: {  	_ =	shalt  }
0x68: {  	_ =	shalt  }
0x69: {  	_ =	shalt  }
0x6a: {  	_ =	shalt  }
0x6b: {  	_ =	shalt  }
0x6c: {  	_ =	shalt  }
0x6d: {  	_ =	shalt  }
0x6e: {  	_ =	shalt  }
0x6f: {  	_ =	shalt  }
0x70: {  	_ =	shalt  }
0x71: {  	_ =	shalt  }
0x72: {  	_ =	shalt  }
0x73: {  	_ =	shalt  }
0x74: {  	_ =	shalt  }
0x75: {  	_ =	shalt  }
0x76: {  	_ =	shalt  }
0x77: {  	_ =	shalt  }
0x78: {  	_ =	shalt  }
0x79: {  	_ =	shalt  }
0x7a: {  	_ =	shalt  }
0x7b: {  	_ =	shalt  }
0x7c: {  	_ =	shalt  }
0x7d: {  	_ =	shalt  }
0x7e: {  	_ =	shalt  }
0x7f: {  	_ =	shalt  }
0x80: {  	_ =	shalt  }
0x81: {  	_ =	shalt  }
0x82: {  	_ =	shalt  }
0x83: {  	_ =	shalt  }
0x84: {  	_ =	shalt  }
0x85: {  	_ =	shalt  }
0x86: {  	_ =	shalt  }
0x87: {  	_ =	shalt  }
.Lfunc_end0:
.L_simem_size_0:
called_computation.5_lowered:
.L_overlay_start_0:
0x88: {  	s2 =	sld [smem:$0x3FD9]  }
0x89: {  	s3 =	sld [smem:$0x3FFE];
	_ =	sdelay $0x1  }
0x8a: {  	s1 =	srdreg.scid  }
0x8b: {  	s0 =	sand.u32 $0x1, s1  }
0x8c: {  	s17 =	sshll.u32 s0, $0xA;
	s2 =	sadd.s32 s3, s2  }
0x8d: {  	s2 =	sadd.s32 s2, s17  }
0x8e: {  	[smem:$0x3FC4] =	sst s2  }
0x8f: {  	_ = 	snop  }
0x90: {  	s2 =	sld [smem:$0x3FD0];
	(tm) =	ssettm $0x1  }
0x91: {  	s18 =	sld [smem:$0x3FFB];
	_ =	sdelay $0x3  }
0x92: {  	_ =	strace s18  }
0x93: {  	s3 =	sld [smem:$0x3FFC];
	_ =	sdelay $0x3  }
0x94: {  	_ =	strace s3  }
0x95: {  	s3 =	sld [smem:$0x3FFD];
	_ =	sdelay $0x3  }
0x96: {  	_ =	strace s3  }
0x97: {  	_ =	strace $0x8FFFFFFF  }
0x98: {  	s19 =	sld [smem:$0x3FDB];
	_ =	sdelay $0x1  }
0x99: {  	s4 =	simm.s32 $_scs_section_size  }
0x9a: {  	s5 =	simm.s32 $_size__tile_overlayer_lowered;
	s6 =	simm.s32 $_tile_overlayer_lowered  }
0x9b: {  	s22 =	simm.s32 $0x1BFF;
	s21 =	sshll.u32 s6, $0x1;
	s3 =	sadd.s32 s4, s19  }
0x9c: {  	s7 =	simm.s32 $0x0;
	s20 =	sshll.u32 s5, $0x1;
	s5 =	sadd.s32 s21, s3  }
0x9d: {  	[timem:s7], [sflag:s22] =	dma.local [hbm:s5], s20  }
0x9e: {  	_ =	swait.ge [sflag:s22], s20  }
0x9f: {  	s4 =	ssub.s32 $0x0, s20;
	[sflag:s22] =	ssyncset.done $0x0  }
0xa0: {  	[sflag:s22] =	ssyncadd.s32 s4;
	_ =	sdelay $0x1  }
0xa1: {  	s23 =	simm.s32 $0x1B8B  }
0xa2: {  	_ =	swait.ge [sflag:s23], $0x1  }
0xa3: {  	[sflag:s23] =	ssyncset.done $0x0  }
0xa4: {  	s25 =	simm.s32 $0x1B8E;
	s24 =	sld [smem:$0x3FFE];
	[sflag:s23] =	ssyncadd.s32 $0xFFFFFFFF  }
0xa5: {  	s26 =	simm.s32 $execute0_lowered;
	[smem:$0x3FD2] =	sst s25  }
0xa6: {  	s5 =	sshll.u32 s26, $0x1;
	_ =	strace $0x80000052;
	[dreg:$0x1] =	wrdreg $0xFFFFFFFF  }
0xa7: {  	s28 =	simm.s32 $_size_execute0_lowered;
	s3 =	sadd.s32 s3, s5;
	[dreg:$0x0] =	wrdreg $0x0  }
0xa8: {  	s5 =	sshll.u32 s28, $0x1;
	[dreg:$0x2] =	wrdreg s3  }
0xa9: {  	[dreg:$0x3] =	wrdreg s5  }
0xaa: {  	[dreg:$0x4] =	wrdreg $0xC0  }
0xab: {  	_ =	task [dreg:s7], $0x5FFFF  }
0xac: {  	[dreg:$0x1] =	wrdreg $0xFFFFFFFF  }
0xad: {  	[dreg:$0x0] =	wrdreg $0x60  }
0xae: {  	[dreg:$0x2] =	wrdreg s24  }
0xaf: {  	[dreg:$0x3] =	wrdreg s2  }
0xb0: {  	[dreg:$0x4] =	wrdreg $0x9  }
0xb1: {  	_ =	task.clear_ibuf [dreg:s7], $0x5FFFF;
	_ =	strace $0x90000052  }
0xb2: {  	s29 =	simm.s32 $0x9;
	_ =	strace $0x80000054  }
0xb3: {  	_ =	swait.ge [sflag:s29], $0x1  }
0xb4: {  	[sflag:s29] =	ssyncadd.s32 $0xFFFFFFFF  }
0xb5: {  	_ =	strace $0x90000054  }
0xb6: {  	_ =	sfence  }
0xb7: {  	s30 =	sld [smem:$0x0];
	_ =	sdelay $0x2  }
0xb8: {  	s31 =	sshll.u32 s1, $0xD;
	s1 =	sshrl.u32 s1, $0x2  }
0xb9: {  	s3 =	sand.u32 $0x4000, s31;
	s1 =	sadd.s32 s1, s30  }
0xba: {  	s0 =	sor.u32 s3, s0;
	s1 =	sshll.u32 s1, $0x11  }
0xbb: {  	s0 =	sor.u32 s1, s0  }
0xbc: {  	s0 =	sadd.s32 $0x8F2B, s0  }
0xbd: {  	[sflag:s0] =	ssyncadd.remote.s32 $0x1  }
0xbe: {  	_ =	sfence.sel $0xFFFF  }
0xbf: {  	[dreg:$0x0] =	wrdreg $0xFFFFFFFF;
	(pc) =	sbr.abs _section_cstart, $3  }
0xc0: {  	[dreg:$0x1] =	wrdreg $0xFFFFFFFF  }
0xc1: {  	_ =	task.clear_ibuf [dreg:s7], $0x2FFFF;
	_ =	strace $0x9FFFFFFF  }
0xc2: {  	(tm) =	ssettm $0x7FFFFFFF  }
0xc3: {  	_ =	shalt  }
tec
execute0_lowered:
.L_overlay_start_1:
0x0: {  	(tag) =	ssettag $0x1  }
0x1: {  	s2 =	rddreg [dreg:$0x0]  }
0x2: {  	s3 =	rddreg [dreg:$0x1];
	s1 =	stileid.u32  }
0x3: {  	s4 =	srdreg.scid;
	s0 =	rddreg [dreg:$0x2];
	_ =	strace $0x80000053  }
0x4: {  	s7 =	simm.s32 $0x1;
	s8 =	simm.s32 $0x1;
	s9 =	simm.s32 $0x3  }
0x5: {  	s10 =	simm.s32 $0x0;
	s5 =	sand.u32 $0x1, s4;
	s6 =	sshll.u32 s1, $0x1  }
0x6: {  	s13 =	simm.s32 $0x0;
	s4 =	simm.s32 $0x1;
	s5 =	sor.u32 s6, s5  }
.Ltmp0:
0x7: {  	[sflag:s4] =	ssyncpa.u1 $0x0;
	p0 =	slt.u32 s5, $0x13;
	(pc) =	sbr.rel .LBB2_1-.Ltmp0, $4  }
0x8: {  	s6 =	simm.s32 $0x2;
	s7 =	simm.s32 @!p0 $0x0;
	p0 =	sne.s32 s5, $0x12  }
0x9: {  	[sflag:s6] =	ssyncpa.u1 $0x0;
	s5 =	smul.u32 $0x30, s5;
	s8 =	simm.s32 @!p0 $0x0  }
0xa: {  	s12 =	simm.s32 $0x0;
	[sflag:s9] =	ssyncpa.u1 $0x0;
	s7 =	sadd.s32 s8, s7  }
0xb: {  	vm0 =	vmmov $0xffff;
	s8 =	sadd.s32 $0x400, s2;
	s11 =	smov.u32 s5;
	s9 =	sadd.s32 $0x1, s7  }
.LBB2_4:
0xc: {  	v2 =	vsel vm1, $0xFFFFFFFF, v2;
	v3 =	vshll.u32 v1, $0x3  }
0xd: {  	v4 =	vand.u32 $0xFFFFE000, v2;
	v3 =	vand.u32 $0xFFFFFC00, v3;
	v2 =	vshll.u32 v2, $0x7  }
0xe: {  	v3 =	vadd.s32 v4, v3;
	v2 =	vand.u32 $0x380, v2  }
0xf: {  	v63 =	vand.u32 $0x7F, v1;
	v2 =	vor.u32 v2, v3  }
0x10: {  	v1 =	vor.u32 v63, v2;
	_ =	sdelay $0x2  }
0x11: {  	[tilespmem:s15], [sflag:$0x1] =	stream.indirect_vreg.gather [hbm4b:s2+s10], $0x1, v0, vm0, $0x4038;
	[tilespmem:$0xC0] =	vst v63  }
0x12: {  	(ifvalue) =	ssetifvalue $0x7FFFFFFF;
	s29 =	sadd.s32 $0x10, s15  }
0x13: {  	[tilespmem:s29], [sflag:$0x1] =	stream.indirect_vreg.gather [hbm4b:s2+s10], $0x1, v1, vm0, $0x4038;
	[tilespmem:$0xC0] =	vst v63  }
0x14: {  	_ =	swait.ge [sflag:s4], $0x30  }
0x15: {  	s30 =	sshrl.u32 s13, $0x3;
	[sflag:s4] =	ssyncset.done $0x0  }
0x16: {  	s31 =	sand.u32 $0x7, s13;
	s15 =	sadd.s32 s8, s30;
	[sflag:s4] =	ssyncadd.s32 $0xFFFFFFD0  }
0x17: {  	[hbm4b:s15+s31] =	stream.linear.scatter [tilespmem:s14], [sflag:$0x3], $0x30, $0x38;
	[tilespmem:$0xC0] =	vst v63  }
.LBB2_5:
0x18: {  	s15 =	sadd.s32 $0x600, s11  }
0x19: {  	p1 =	sgt.s32 s15, $0x95F  }
0x1a: {  	s15 =	smov.u32 @p1 s5;
	p1 =	sne.s32 s12, s9  }
.Ltmp1:
0x1b: {  	p0 =	slt.u32 s12, $0x2;
	(pc) =	sbr.rel @!p1 .LBB2_6-.Ltmp1, $4  }
0x1c: {  	s14 =	simm.s32 @!p0 $0x3  }
0x1d: {  	_ =	swait.ge @!p0 [sflag:s14], $0x30  }
0x1e: {  	s16 =	sadd.s32 $0x1, s12;
	s13 =	smov.u32 s11;
	[sflag:s14] =	ssyncset.done @!p0 $0x0  }
0x1f: {  	s12 =	smov.u32 s16;
	s11 =	smov.u32 s15;
	[sflag:s14] =	ssyncadd.s32 @!p0 $0xFFFFFFD0  }
.LBB2_1:
0x20: {  	p0 =	sge.u32 s12, s7  }
0x21: {  	s14 =	sxor.u32 @!p0 $0x1, s12  }
0x22: {  	s14 =	smul.u32 @!p0 $0xC0, s14  }
0x23: {  	s31 =	sadd.s32 $0xFFFFFFFF, s12;
	s15 =	sshrl.u32 @!p0 s11, $0x3  }
0x24: {  	s16 =	sand.u32 @!p0 $0x7, s11;
	s15 =	sadd.s32 @!p0 s3, s15;
	s14 =	sshra.s32 @!p0 s14, $0x2  }
0x25: {  	[tilespmem:s14], [sflag:$0x2] =	stream.linear.gather @!p0 [hbm4b:s15+s16], $0x30, $0x38;
	[tilespmem:$0xC0] =	vst v63  }
0x26: {  	p0 =	sge.u32 s31, s7  }
.Ltmp2:
0x27: {  	_ = 	snop;
	(pc) =	sbr.rel @p0 .LBB2_5-.Ltmp2, $1  }
0x28: {  	_ =	sdelay $0x3  }
0x29: {  	s14 =	sand.u32 $0x1, s12  }
0x2a: {  	_ =	swait.ge [sflag:s6], $0x30;
	p0 =	seq.s32 s14, $0x1;
	s14 =	simm.s32 $0x30  }
0x2b: {  	[sflag:s6] =	ssyncset.done $0x0;
	s14 =	simm.s32 @!p0 $0x0  }
0x2c: {  	[sflag:s6] =	ssyncadd.s32 $0xFFFFFFD0;
	(ifvalue) =	ssetifvalue $0x7FFFFFFF;
	v0 =	vld.msk [tilespmem:s14+$0x0 ss:$0x1], $0xffff;
	_ =	sdelay $0x4  }
0x2d: {  	v1 =	vshrl.u32 v0, $0x3  }
0x2e: {  	vm1 =	veq.s32 v0, $0x80000000;
	v1 =	vand.u32 $0x3FF, v1  }
0x2f: {  	v0 =	vand.u32 $0x7, v0;
	v1 =	vsel vm1, $0xFFFFFFFF, v1  }
0x30: {  	s15 =	sadd.s32 $0x10, s14;
	v0 =	vsel vm1, $0xFFFFFFFF, v0;
	v3 =	vshll.u32 v1, $0x3  }
0x31: {  	v2 =	vld.msk [tilespmem:s15+$0x0 ss:$0x1], $0xffff;
	v4 =	vand.u32 $0xFFFFE000, v0;
	v0 =	vshll.u32 v0, $0x7;
	v3 =	vand.u32 $0xFFFFFC00, v3  }
0x32: {  	v0 =	vand.u32 $0x380, v0;
	v3 =	vadd.s32 v4, v3  }
0x33: {  	v1 =	vand.u32 $0x7F, v1;
	v0 =	vor.u32 v0, v3  }
0x34: {  	v0 =	vor.u32 v1, v0;
	_ =	sdelay $0x1  }
0x35: {  	v63 =	vshrl.u32 v2, $0x3  }
0x36: {  	s16 =	simm.s32 $0x10;
	s14 =	sadd.s32 $0x60, s14;
	vm1 =	veq.s32 v2, $0x80000000;
	v3 =	vand.u32 $0x3FF, v63  }
0x37: {  	s17 =	sadd.s32 $0x10, s15;
	(ifvalue) =	ssetifvalue $0x7FFFFFFF;
	s15 =	smov.u32 s14;
	v2 =	vand.u32 $0x7, v2;
	v1 =	vsel vm1, $0xFFFFFFFF, v3  }
.LBB2_3:
0x38: {  	v3 =	vld.msk [tilespmem:s17+$0x0 ss:$0x1], $0xffff;
	v2 =	vsel vm1, $0xFFFFFFFF, v2;
	v4 =	vshll.u32 v1, $0x3;
	[tilespmem:s15], [sflag:$0x1] =	stream.indirect_vreg.gather [hbm4b:s2+s10], $0x1, v0, vm0, $0x4038  }
0x39: {  	s16 =	sadd.s32 $0x10, s16;
	v0 =	vand.u32 $0xFFFFE000, v2;
	v4 =	vand.u32 $0xFFFFFC00, v4;
	v2 =	vshll.u32 v2, $0x7  }
0x3a: {  	p0 =	slt.u32 s16, $0x20;
	v0 =	vadd.s32 v0, v4;
	v2 =	vand.u32 $0x380, v2  }
0x3b: {  	v1 =	vand.u32 $0x7F, v1;
	v0 =	vor.u32 v2, v0  }
.Ltmp3:
0x3c: {  	v0 =	vor.u32 v1, v0;
	(pc) =	sbr.rel @p0 .LBB2_3-.Ltmp3, $4  }
0x3d: {  	_ = 	snop  }
0x3e: {  	v1 =	vshrl.u32 v3, $0x3  }
0x3f: {  	vm1 =	veq.s32 v3, $0x80000000;
	v1 =	vand.u32 $0x3FF, v1  }
0x40: {  	s17 =	sadd.s32 $0x10, s17;
	s15 =	sadd.s32 $0x10, s15;
	v2 =	vand.u32 $0x7, v3;
	v1 =	vsel vm1, $0xFFFFFFFF, v1;
	(ifvalue) =	ssetifvalue $0x7FFFFFFF  }
.Ltmp4:
0x41: {  	_ = 	snop;
	(pc) =	sbr.rel .LBB2_4-.Ltmp4, $1  }
0x42: {  	_ =	sdelay $0x3  }
.LBB2_6:
0x43: {  	_ =	sfence.sel $0x180000  }
0x44: {  	s2 =	simm.s32 $0x2;
	[bflag:$0x0] =	sbarrier.arrive $0xFFFF  }
0x45: {  	s30 =	simm.s32 $0x3;
	[sflag:s2] =	ssyncpa.u1 $0x1  }
0x46: {  	s31 =	simm.s32 $0x1;
	[sflag:s30] =	ssyncpa.u1 $0x1  }
0x47: {  	[sflag:s31] =	ssyncpa.u1 $0x1  }
0x48: {  	p0 =	sne.s32 s1, $0x0;
	_ =	strace $0x90000053  }
0x49: {  	s0 =	sadd.s32 @!p0 $0x100000, s0;
	[bflag:$0x2] =	sbarrier.arrive $0xFFFF  }
0x4a: {  	[sflag:s0] =	ssyncadd.tile.s32 @!p0 $0x1;
	_ =	shalt  }
.Lfunc_end2:
_tile_overlayer_lowered:
.L_overlay_start_2:
0x4b: {  	(tag) =	ssettag $0x2  }
0x4c: {  	s0 =	rddreg [dreg:$0x0];
	s2 =	stileid.u32  }
0x4d: {  	s1 =	rddreg [dreg:$0x1];
	p0 =	sne.s32 s2, $0x0  }
0x4e: {  	s3 =	rddreg [dreg:$0x2];
	[bflag:$0x3] =	sbarrier.arrive $0xFFFF;
	s2 =	simm.s32 @!p0 $0x1C01  }
0x4f: {  	[timem:s3], [sflag:s2] =	dma.local @!p0 [hbm:s0], s1  }
0x50: {  	s0 =	simm.s32 @!p0 $0x1  }
0x51: {  	_ =	swait.ge @!p0 [sflag:s0], s1  }
0x52: {  	s1 =	ssub.s32 @!p0 $0x0, s1;
	[sflag:s0] =	ssyncset.done @!p0 $0x0  }
0x53: {  	[sflag:s0] =	ssyncadd.s32 @!p0 s1  }
0x54: {  	[bflag:$0x3] =	sbarrier.arrive $0xFFFF  }
0x55: {  	_ =	shalt  }

// kernel: gather_offload_async_start
scs
__scs_entry_jumppad:
0x0: {  	(pc) =	sbr.rel $0x88, $3  }
0x1: {  	(tag) =	ssettag $0x0;
	lr =	simm.s32 $0x1  }
0x2: {  	[smem:$0x3F9D] =	sst lr;
	_ =	strace $0xD0000000  }
0x3: {  	_ = 	snop  }
0x4: {  	_ = 	snop  }
0x5: {  	_ = 	snop  }
0x6: {  	_ = 	snop  }
0x7: {  	_ = 	snop  }
__scs_overlays_trampoline_lowered:
0x8: {  	[smem:$0x3FAC] =	sst s0  }
0x9: {  	[smem:$0x3FAD] =	sst s1  }
0xa: {  	[smem:$0x3FAE] =	sst s2  }
0xb: {  	[smem:$0x3FAF] =	sst s3  }
0xc: {  	[smem:$0x3FB0] =	sst s4  }
0xd: {  	[smem:$0x3FB1] =	sst s5  }
0xe: {  	[smem:$0x3FB2] =	sst s6  }
0xf: {  	[smem:$0x3FB3] =	sst s7  }
0x10: {  	[smem:$0x3FB4] =	sst s8  }
0x11: {  	[smem:$0x3FB5] =	sst s9;
	s0 =	simm.s32 @!p0 $0x0  }
0x12: {  	s1 =	sld [smem:$0x3F9B];
	s0 =	simm.s32 @p0 $0x1  }
0x13: {  	[smem:$0x3FB6] =	sst s0;
	s0 =	simm.s32 @!p1 $0x0  }
0x14: {  	s2 =	sld [smem:$0x3F9A];
	s0 =	simm.s32 @p1 $0x1  }
0x15: {  	[smem:$0x3FB7] =	sst s0;
	s0 =	simm.s32 @!p2 $0x0  }
0x16: {  	s3 =	sld [smem:$0x3FDB];
	s0 =	simm.s32 @p2 $0x1  }
0x17: {  	s4 =	simm.s32 $0x1BF5;
	[smem:$0x3FB9] =	sst s0  }
0x18: {  	s0 =	sld [smem:$0x3F9C];
	_ =	swait.ge [sflag:s4], $0x0  }
0x19: {  	s7 =	sld [smem:$0x3F9D]  }
0x1a: {  	s8 =	sadd.s32 $0xFFFFE003, lr  }
0x1b: {  	s9 =	sadd.s32 $0xFFFFFEF7, lr;
	s5 =	simm.s32 $0xFFFFFFFF;
	p2 =	slt.u32 s8, $0xFFFFF086  }
0x1c: {  	p1 =	slt.u32 s9, $0xF7A;
	s5 =	simm.s32 @!p2 $0x0  }
0x1d: {  	s5 =	simm.s32 @p1 $0x1;
	p0 =	seq.s32 s7, s2  }
0x1e: {  	s7 =	smul.u32 @!p0 $0xF7A, s2;
	p2 =	seq.s32 @!p0 s5, $0x0  }
0x1f: {  	s9 =	smul.u32 $0xF7A, s1;
	s8 =	simm.s32 @!p0 $0x1BF5;
	p2 =	por !p2, p0  }
0x20: {  	[sflag:s8] =	ssyncset.s32 @!p0 $0xFFFFF086;
	s6 =	sadd.s32 @!p0 s3, s7;
	s7 =	simm.s32 @!p0 $0x108  }
0x21: {  	s3 =	sadd.s32 s3, s9;
	s6 =	sadd.s32 @!p0 $0x88, s6;
	s7 =	simm.s32 @p2 $0x1082  }
0x22: {  	[simem:s7], [sflag:s8] =	dma.local @!p0 [hbm:s6], $0xF7A  }
0x23: {  	s9 =	sor.u32 $0xD0000000, s2;
	s6 =	simm.s32 $0x108;
	_ =	swait.ge @!p0 [sflag:s8], $0x0  }
0x24: {  	s3 =	sadd.s32 $0x88, s3;
	s6 =	simm.s32 @!p1 $0x1082;
	[sflag:s4] =	ssyncset.s32 $0xFFFFF086  }
0x25: {  	[simem:s6], [sflag:s4] =	dma.local [hbm:s3], $0xF7A  }
0x26: {  	[smem:$0x3F9D] =	sst s1;
	(tag) =	ssettag s2;
	_ =	strace s9  }
0x27: {  	s1 =	sld [smem:$0x3FAD]  }
0x28: {  	s2 =	sld [smem:$0x3FAE]  }
0x29: {  	s4 =	sld [smem:$0x3FB0]  }
0x2a: {  	p0 =	seq.s32 s5, $0x0;
	s5 =	sld [smem:$0x3FB1]  }
0x2b: {  	s6 =	sld [smem:$0x3FB2]  }
0x2c: {  	s7 =	sld [smem:$0x3FB3]  }
0x2d: {  	s3 =	simm.s32 $0x108;
	s8 =	sld [smem:$0x3FB4]  }
0x2e: {  	s3 =	simm.s32 @!p0 $0x1082;
	s9 =	sld [smem:$0x3FB5]  }
0x2f: {  	lr =	sadd.s32 s0, s3;
	s0 =	sld [smem:$0x3FAC]  }
0x30: {  	s3 =	sld [smem:$0x3FAF]  }
0x31: {  	[smem:$0x3FB8] =	sst s10  }
0x32: {  	s10 =	sld [smem:$0x3FB6];
	_ =	sdelay $0x3  }
0x33: {  	p0 =	seq.s32 s10, $0x1;
	s10 =	sld [smem:$0x3FB8];
	_ =	sdelay $0x3  }
0x34: {  	[smem:$0x3FB8] =	sst s10  }
0x35: {  	s10 =	sld [smem:$0x3FB7];
	_ =	sdelay $0x3  }
0x36: {  	p1 =	seq.s32 s10, $0x1;
	s10 =	sld [smem:$0x3FB8];
	_ =	sdelay $0x3  }
0x37: {  	[smem:$0x3FB8] =	sst s10  }
0x38: {  	s10 =	sld [smem:$0x3FB9]  }
0x39: {  	_ = 	snop;
	(pc) =	sbr.ind lr, $3  }
0x3a: {  	_ = 	snop  }
0x3b: {  	_ = 	snop  }
0x3c: {  	p2 =	seq.s32 s10, $0x1;
	s10 =	sld [smem:$0x3FB8]  }
0x3d: {  	_ =	shalt  }
0x3e: {  	_ =	shalt  }
0x3f: {  	_ =	shalt  }
0x40: {  	_ =	shalt  }
0x41: {  	_ =	shalt  }
0x42: {  	_ =	shalt  }
0x43: {  	_ =	shalt  }
0x44: {  	_ =	shalt  }
0x45: {  	_ =	shalt  }
0x46: {  	_ =	shalt  }
0x47: {  	_ =	shalt  }
0x48: {  	_ =	shalt  }
0x49: {  	_ =	shalt  }
0x4a: {  	_ =	shalt  }
0x4b: {  	_ =	shalt  }
0x4c: {  	_ =	shalt  }
0x4d: {  	_ =	shalt  }
0x4e: {  	_ =	shalt  }
0x4f: {  	_ =	shalt  }
0x50: {  	_ =	shalt  }
0x51: {  	_ =	shalt  }
0x52: {  	_ =	shalt  }
0x53: {  	_ =	shalt  }
0x54: {  	_ =	shalt  }
0x55: {  	_ =	shalt  }
0x56: {  	_ =	shalt  }
0x57: {  	_ =	shalt  }
0x58: {  	_ =	shalt  }
0x59: {  	_ =	shalt  }
0x5a: {  	_ =	shalt  }
0x5b: {  	_ =	shalt  }
0x5c: {  	_ =	shalt  }
0x5d: {  	_ =	shalt  }
0x5e: {  	_ =	shalt  }
0x5f: {  	_ =	shalt  }
0x60: {  	_ =	shalt  }
0x61: {  	_ =	shalt  }
0x62: {  	_ =	shalt  }
0x63: {  	_ =	shalt  }
0x64: {  	_ =	shalt  }
0x65: {  	_ =	shalt  }
0x66: {  	_ =	shalt  }
0x67: {  	_ =	shalt  }
0x68: {  	_ =	shalt  }
0x69: {  	_ =	shalt  }
0x6a: {  	_ =	shalt  }
0x6b: {  	_ =	shalt  }
0x6c: {  	_ =	shalt  }
0x6d: {  	_ =	shalt  }
0x6e: {  	_ =	shalt  }
0x6f: {  	_ =	shalt  }
0x70: {  	_ =	shalt  }
0x71: {  	_ =	shalt  }
0x72: {  	_ =	shalt  }
0x73: {  	_ =	shalt  }
0x74: {  	_ =	shalt  }
0x75: {  	_ =	shalt  }
0x76: {  	_ =	shalt  }
0x77: {  	_ =	shalt  }
0x78: {  	_ =	shalt  }
0x79: {  	_ =	shalt  }
0x7a: {  	_ =	shalt  }
0x7b: {  	_ =	shalt  }
0x7c: {  	_ =	shalt  }
0x7d: {  	_ =	shalt  }
0x7e: {  	_ =	shalt  }
0x7f: {  	_ =	shalt  }
0x80: {  	_ =	shalt  }
0x81: {  	_ =	shalt  }
0x82: {  	_ =	shalt  }
0x83: {  	_ =	shalt  }
0x84: {  	_ =	shalt  }
0x85: {  	_ =	shalt  }
0x86: {  	_ =	shalt  }
0x87: {  	_ =	shalt  }
.Lfunc_end0:
.L_simem_size_0:
called_computation_lowered:
.L_overlay_start_0:
0x88: {  	s2 =	sld [smem:$0x3FD9]  }
0x89: {  	s3 =	sld [smem:$0x3FFE];
	_ =	sdelay $0x1  }
0x8a: {  	s1 =	srdreg.scid  }
0x8b: {  	s0 =	sand.u32 $0x1, s1  }
0x8c: {  	s17 =	sshll.u32 s0, $0xA;
	s2 =	sadd.s32 s3, s2  }
0x8d: {  	s2 =	sadd.s32 s2, s17  }
0x8e: {  	[smem:$0x3FC4] =	sst s2  }
0x8f: {  	_ = 	snop  }
0x90: {  	(tm) =	ssettm $0x1  }
0x91: {  	s18 =	sld [smem:$0x3FFB];
	_ =	sdelay $0x3  }
0x92: {  	_ =	strace s18  }
0x93: {  	s2 =	sld [smem:$0x3FFC];
	_ =	sdelay $0x3  }
0x94: {  	_ =	strace s2  }
0x95: {  	s2 =	sld [smem:$0x3FFD];
	_ =	sdelay $0x3  }
0x96: {  	_ =	strace s2  }
0x97: {  	_ =	strace $0x8FFFFFFF  }
0x98: {  	s19 =	sld [smem:$0x3FDB];
	_ =	sdelay $0x1  }
0x99: {  	s20 =	simm.s32 $_scs_section_size  }
0x9a: {  	s4 =	simm.s32 $_size__tile_overlayer_lowered;
	s5 =	simm.s32 $_tile_overlayer_lowered  }
0x9b: {  	s6 =	simm.s32 $0x1BFF;
	s21 =	sshll.u32 s5, $0x1;
	s3 =	sadd.s32 s20, s19  }
0x9c: {  	s22 =	simm.s32 $0x0;
	s4 =	sshll.u32 s4, $0x1;
	s5 =	sadd.s32 s21, s3  }
0x9d: {  	[timem:s22], [sflag:s6] =	dma.local [hbm:s5], s4  }
0x9e: {  	_ =	swait.ge [sflag:s6], s4  }
0x9f: {  	s4 =	ssub.s32 $0x0, s4;
	[sflag:s6] =	ssyncset.done $0x0  }
0xa0: {  	[sflag:s6] =	ssyncadd.s32 s4;
	_ =	sdelay $0x1  }
0xa1: {  	s23 =	simm.s32 $0x1B8B  }
0xa2: {  	_ =	swait.ge [sflag:s23], $0x1  }
0xa3: {  	[sflag:s23] =	ssyncset.done $0x0  }
0xa4: {  	[sflag:s23] =	ssyncadd.s32 $0xFFFFFFFF  }
0xa5: {  	s4 =	sld [smem:$0x0]  }
0xa6: {  	s5 =	sand.u32 $0xFFFFFFFE, s1  }
0xa7: {  	p0 =	sne.s32 s1, s5  }
0xa8: {  	s5 =	sshll.u32 @p0 s5, $0xE  }
0xa9: {  	s5 =	sadd.s32 @p0 $0x11B8D, s5;
	s6 =	sshll.u32 @p0 s4, $0x11  }
0xaa: {  	s5 =	sor.u32 @p0 s6, s5  }
0xab: {  	[sflag:s5] =	ssyncadd.remote.s32 @p0 $0x1;
	_ =	sdelay $0x1  }
0xac: {  	s5 =	simm.s32 @p0 $0x1B8D  }
0xad: {  	_ =	swait.eq @p0 [sflag:s5], $0x1  }
0xae: {  	[sflag:s5] =	ssyncadd.s32 @p0 $0xFFFFFFFF  }
0xaf: {  	s6 =	sshll.u32 @!p0 s1, $0xE  }
0xb0: {  	s6 =	sor.u32 @!p0 $0x4000, s6;
	s5 =	simm.s32 @!p0 $0x1B8D  }
0xb1: {  	s4 =	sshll.u32 @!p0 s4, $0x11;
	s6 =	sadd.s32 @!p0 $0x11B8D, s6;
	_ =	swait.eq @!p0 [sflag:s5], $0x1  }
0xb2: {  	s4 =	sor.u32 @!p0 s4, s6;
	[sflag:s5] =	ssyncadd.s32 @!p0 $0xFFFFFFFF  }
0xb3: {  	s25 =	simm.s32 $0x1B8E;
	s24 =	sld [smem:$0x3FFE];
	[sflag:s4] =	ssyncadd.remote.s32 @!p0 $0x1  }
0xb4: {  	s26 =	simm.s32 $execute0_lowered;
	[smem:$0x3FD2] =	sst s25  }
0xb5: {  	s5 =	sshll.u32 s26, $0x1;
	_ =	strace $0x80000049;
	[dreg:$0x1] =	wrdreg $0xFFFFFFFF  }
0xb6: {  	s28 =	simm.s32 $_size_execute0_lowered;
	s3 =	sadd.s32 s3, s5;
	[dreg:$0x0] =	wrdreg $0x0  }
0xb7: {  	s5 =	sshll.u32 s28, $0x1;
	[dreg:$0x2] =	wrdreg s3  }
0xb8: {  	[dreg:$0x3] =	wrdreg s5  }
0xb9: {  	[dreg:$0x4] =	wrdreg $0xC0  }
0xba: {  	_ =	task [dreg:s22], $0x5FFFF  }
0xbb: {  	[dreg:$0x1] =	wrdreg $0xFFFFFFFF  }
0xbc: {  	[dreg:$0x0] =	wrdreg $0x60  }
0xbd: {  	[dreg:$0x2] =	wrdreg s24  }
0xbe: {  	[dreg:$0x3] =	wrdreg $0x9  }
0xbf: {  	_ =	task.clear_ibuf [dreg:s22], $0x4FFFF;
	_ =	strace $0x90000049  }
0xc0: {  	s29 =	simm.s32 $0x9;
	_ =	strace $0x8000004B  }
0xc1: {  	_ =	swait.ge [sflag:s29], $0x1  }
0xc2: {  	[sflag:s29] =	ssyncadd.s32 $0xFFFFFFFF  }
0xc3: {  	_ =	strace $0x9000004B  }
0xc4: {  	_ =	sfence  }
0xc5: {  	s30 =	sld [smem:$0x0];
	_ =	sdelay $0x2  }
0xc6: {  	s31 =	sshll.u32 s1, $0xD;
	s1 =	sshrl.u32 s1, $0x2  }
0xc7: {  	s4 =	sand.u32 $0x4000, s31;
	s1 =	sadd.s32 s1, s30  }
0xc8: {  	s0 =	sor.u32 s4, s0;
	s1 =	sshll.u32 s1, $0x11  }
0xc9: {  	s0 =	sor.u32 s1, s0  }
0xca: {  	s0 =	sadd.s32 $0x8F2B, s0  }
0xcb: {  	[sflag:s0] =	ssyncadd.remote.s32 $0x1  }
0xcc: {  	_ =	sfence.sel $0xFFFF  }
0xcd: {  	[dreg:$0x0] =	wrdreg $0xFFFFFFFF;
	(pc) =	sbr.abs _section_cstart, $3  }
0xce: {  	[dreg:$0x1] =	wrdreg $0xFFFFFFFF  }
0xcf: {  	_ =	task.clear_ibuf [dreg:s22], $0x2FFFF;
	_ =	strace $0x9FFFFFFF  }
0xd0: {  	(tm) =	ssettm $0x7FFFFFFF  }
0xd1: {  	_ =	shalt  }
tec
execute0_lowered:
.L_overlay_start_1:
0x0: {  	(tag) =	ssettag $0x1  }
0x1: {  	s7 =	rddreg [dreg:$0x0]  }
0x2: {  	s1 =	srdreg.scid;
	s0 =	rddreg [dreg:$0x1]  }
0x3: {  	_ =	strace $0x8000004A;
	s3 =	simm.s32 $0x1;
	s5 =	simm.s32 $0x2  }
0x4: {  	s9 =	simm.s32 $0x3;
	s12 =	simm.s32 $0x0;
	s2 =	sshll.u32 s1, $0x4  }
.Ltmp0:
0x5: {  	s1 =	stileid.u32;
	s4 =	sand.u32 $0x10, s2;
	(pc) =	sbr.rel .LBB2_1-.Ltmp0, $4  }
0x6: {  	s10 =	simm.s32 $0x0;
	[sflag:s3] =	ssyncpa.u1 $0x0;
	s4 =	sor.u32 s1, s4  }
0x7: {  	s6 =	sadd.s32 $0x38A800, s7;
	[sflag:s5] =	ssyncpa.u1 $0x0;
	s4 =	smul.u32 $0x180, s4  }
0x8: {  	s2 =	sadd.s32 $0x835C00, s7;
	s7 =	sadd.s32 $0x3BC000, s7;
	[sflag:s9] =	ssyncpa.u1 $0x0  }
0x9: {  	vm0 =	vmmov $0xff;
	vm1 =	vcmask $0x3F20;
	s9 =	simm.s32 $0x180;
	s8 =	sadd.s32 $0x180, s4;
	s11 =	smov.u32 s4  }
.LBB2_10:
0xa: {  	s12 =	sshrl.u32 s11, $0x3  }
0xb: {  	s13 =	sand.u32 $0x7, s11;
	s12 =	sadd.s32 s6, s12  }
0xc: {  	[tilespmem:s9], [sflag:$0x2] =	stream.linear.gather [hbm4b:s12+s13], $0x180, $0x38;
	[tilespmem:$0x18300] =	vst v63  }
.LBB2_8:
0xd: {  	s12 =	sadd.s32 $0x180, s11  }
0xe: {  	s13 =	smov.u32 s4;
	p0 =	slt.s32 s12, s8  }
0xf: {  	s13 =	smov.u32 @p0 s12  }
0x10: {  	s10 =	sadd.s32 $0x1, s10;
	s12 =	smov.u32 s11;
	s11 =	smov.u32 s13  }
.LBB2_1:
0x11: {  	p0 =	seq.s32 s10, $0x0  }
.Ltmp1:
0x12: {  	_ = 	snop;
	(pc) =	sbr.rel @p0 .LBB2_10-.Ltmp1, $1  }
0x13: {  	_ =	sdelay $0x3  }
0x14: {  	p0 =	seq.s32 s10, $0x1  }
.Ltmp2:
0x15: {  	_ = 	snop;
	(pc) =	sbr.rel @!p0 .LBB2_9-.Ltmp2, $1  }
0x16: {  	_ =	sdelay $0x3  }
0x17: {  	_ =	swait.ge [sflag:s5], $0x180  }
0x18: {  	[sflag:s5] =	ssyncset.done $0x0  }
0x19: {  	s13 =	simm.s32 $0x0;
	[sflag:s5] =	ssyncadd.s32 $0xFFFFFE80  }
0x1a: {  	v0 =	vld.msk [tilespmem:s13+$0x180 ss:$0x1], $0xffff;
	_ =	sdelay $0x4  }
0x1b: {  	v1 =	vand.u32 $0x7, v0;
	v2 =	vshll.u32 v0, $0x4  }
0x1c: {  	vm2 =	veq.s32 v0, $0x80000000;
	v0 =	vmul.u32 $0x258000, v1;
	v1 =	vand.u32 $0x3FFF80, v2  }
0x1d: {  	v1 =	vsel vm2, $0xFFFFFF80, v1  }
0x1e: {  	v0 =	vsel vm2, $0xFFDA8000, v0;
	v2 =	vand.u32 $0xFFFFFC00, v1  }
0x1f: {  	v1 =	vand.u32 $0x380, v1;
	v0 =	vadd.s32 v0, v2  }
0x20: {  	v0 =	vor.u32 v1, v0  }
0x21: {  	v0 =	vshrl.u32 v0, $0x3;
	_ =	sdelay $0x3  }
0x22: {  	s13 =	simm.s32 $0xC300  }
0x23: {  	[tilespmem:s13], [sflag:$0x1] =	stream.indirect_vreg.gather [hbm:s2], $0x80, v0, vm0, $0x38;
	[tilespmem:$0x18300] =	vst v63  }
0x24: {  	s14 =	simm.s32 $0xC700;
	s31 =	simm.s32 $0x10  }
0x25: {  	[tilespmem:s14], [sflag:$0x1] =	stream.indirect_vreg.gather [hbm:s2], $0x80, v0, vm1, $0x38;
	[tilespmem:$0x18300] =	vst v63  }
0x26: {  	s14 =	simm.s32 $0x80;
	v0 =	vld.msk [tilespmem:s31+$0x180 ss:$0x1], $0xffff  }
.LBB2_4:
0x27: {  	p0 =	sne.s32 s14, $0x5C0;
	_ =	sdelay $0x4  }
0x28: {  	v1 =	vand.u32 $0x7, v0;
	v2 =	vshll.u32 v0, $0x4  }
0x29: {  	vm2 =	veq.s32 v0, $0x80000000;
	v0 =	vmul.u32 $0x258000, v1;
	v1 =	vand.u32 $0x3FFF80, v2  }
0x2a: {  	v1 =	vsel vm2, $0xFFFFFF80, v1  }
0x2b: {  	v0 =	vsel vm2, $0xFFDA8000, v0;
	v2 =	vand.u32 $0xFFFFFC00, v1  }
0x2c: {  	v1 =	vand.u32 $0x380, v1;
	v0 =	vadd.s32 v0, v2  }
0x2d: {  	v0 =	vor.u32 v1, v0  }
0x2e: {  	v0 =	vshrl.u32 v0, $0x3;
	_ =	sdelay $0x3  }
.Ltmp3:
0x2f: {  	s13 =	sadd.s32 $0x800, s13;
	(pc) =	sbr.rel @p0 .LBB2_4-.Ltmp3, $4  }
0x30: {  	[tilespmem:s13], [sflag:$0x1] =	stream.indirect_vreg.gather [hbm:s2], $0x80, v0, vm0, $0x38;
	[tilespmem:$0x18300] =	vst v63  }
0x31: {  	s15 =	sshra.s32 s14, $0x2;
	s16 =	sadd.s32 $0x400, s13  }
0x32: {  	[tilespmem:s16], [sflag:$0x1] =	stream.indirect_vreg.gather [hbm:s2], $0x80, v0, vm1, $0x38;
	[tilespmem:$0x18300] =	vst v63  }
0x33: {  	s14 =	sadd.s32 $0x40, s14;
	v0 =	vld.msk [tilespmem:s15+$0x180 ss:$0x1], $0xffff  }
0x34: {  	_ =	sdelay $0x3  }
0x35: {  	v1 =	vand.u32 $0x7, v0;
	v2 =	vshll.u32 v0, $0x4  }
0x36: {  	vm2 =	veq.s32 v0, $0x80000000;
	v61 =	vmul.u32 $0x258000, v1;
	v62 =	vand.u32 $0x3FFF80, v2  }
0x37: {  	v1 =	vsel vm2, $0xFFFFFF80, v62  }
0x38: {  	v0 =	vsel vm2, $0xFFDA8000, v61;
	v63 =	vand.u32 $0xFFFFFC00, v1  }
0x39: {  	v1 =	vand.u32 $0x380, v1;
	v0 =	vadd.s32 v0, v63  }
0x3a: {  	v0 =	vor.u32 v1, v0  }
0x3b: {  	v0 =	vshrl.u32 v0, $0x3;
	_ =	sdelay $0x3  }
0x3c: {  	s13 =	sadd.s32 $0x800, s13  }
0x3d: {  	[tilespmem:s13], [sflag:$0x1] =	stream.indirect_vreg.gather [hbm:s2], $0x80, v0, vm0, $0x38;
	[tilespmem:$0x18300] =	vst v63  }
0x3e: {  	s13 =	sadd.s32 $0x400, s13  }
0x3f: {  	[tilespmem:s13], [sflag:$0x1] =	stream.indirect_vreg.gather [hbm:s2], $0x80, v0, vm1, $0x38;
	[tilespmem:$0x18300] =	vst v63  }
0x40: {  	s12 =	sshll.u32 s12, $0x4;
	s14 =	simm.s32 $0x80;
	_ =	swait.ge [sflag:s3], $0xC000  }
0x41: {  	s15 =	simm.s32 $0xC700;
	s12 =	sadd.s32 s12, s7;
	[sflag:s3] =	ssyncset.done $0x0  }
0x42: {  	s16 =	sadd.s32 $0x0, s12;
	s13 =	simm.s32 $0xC300;
	[sflag:s3] =	ssyncadd.s32 $0xFFFF4000  }
.LBB2_6:
0x43: {  	[hbm:s16] =	stream.linear.scatter [tilespmem:s13], [sflag:$0x3], $0x400, $0x38;
	[tilespmem:$0x18300] =	vst v63  }
0x44: {  	s16 =	smov.u32 s14;
	s13 =	smov.u32 s15;
	p0 =	seq.s32 s14, $0x1780  }
.Ltmp4:
0x45: {  	s14 =	sadd.s32 $0x80, s14;
	(pc) =	sbr.rel @!p0 .LBB2_6-.Ltmp4, $2  }
0x46: {  	_ =	sdelay $0x2  }
0x47: {  	s15 =	sadd.s32 $0x400, s15;
	s16 =	sadd.s32 s16, s12  }
.Ltmp5:
0x48: {  	(pc) =	sbr.rel .LBB2_8-.Ltmp5, $2  }
0x49: {  	_ =	sdelay $0x2  }
0x4a: {  	[hbm:s16] =	stream.linear.scatter [tilespmem:s13], [sflag:$0x3], $0x400, $0x38;
	[tilespmem:$0x18300] =	vst v63  }
.LBB2_9:
0x4b: {  	s2 =	simm.s32 $0x3  }
0x4c: {  	_ =	swait.ge [sflag:s2], $0xC000  }
0x4d: {  	[sflag:s2] =	ssyncset.done $0x0  }
0x4e: {  	[sflag:s2] =	ssyncadd.s32 $0xFFFF4000  }
0x4f: {  	_ =	sfence.sel $0x180000  }
0x50: {  	s3 =	simm.s32 $0x2;
	[bflag:$0x0] =	sbarrier.arrive $0xFFFF  }
0x51: {  	[sflag:s3] =	ssyncpa.u1 $0x1  }
0x52: {  	s31 =	simm.s32 $0x1;
	[sflag:s2] =	ssyncpa.u1 $0x1  }
0x53: {  	[sflag:s31] =	ssyncpa.u1 $0x1  }
0x54: {  	p0 =	sne.s32 s1, $0x0;
	_ =	strace $0x9000004A  }
0x55: {  	s0 =	sadd.s32 @!p0 $0x100000, s0;
	[bflag:$0x2] =	sbarrier.arrive $0xFFFF  }
0x56: {  	[sflag:s0] =	ssyncadd.tile.s32 @!p0 $0x1;
	_ =	shalt  }
.Lfunc_end2:
_tile_overlayer_lowered:
.L_overlay_start_2:
0x57: {  	(tag) =	ssettag $0x2  }
0x58: {  	s0 =	rddreg [dreg:$0x0];
	s2 =	stileid.u32  }
0x59: {  	s1 =	rddreg [dreg:$0x1];
	p0 =	sne.s32 s2, $0x0  }
0x5a: {  	s3 =	rddreg [dreg:$0x2];
	[bflag:$0x3] =	sbarrier.arrive $0xFFFF;
	s2 =	simm.s32 @!p0 $0x1C01  }
0x5b: {  	[timem:s3], [sflag:s2] =	dma.local @!p0 [hbm:s0], s1  }
0x5c: {  	s0 =	simm.s32 @!p0 $0x1  }
0x5d: {  	_ =	swait.ge @!p0 [sflag:s0], s1  }
0x5e: {  	s1 =	ssub.s32 @!p0 $0x0, s1;
	[sflag:s0] =	ssyncset.done @!p0 $0x0  }
0x5f: {  	[sflag:s0] =	ssyncadd.s32 @!p0 s1  }
0x60: {  	[bflag:$0x3] =	sbarrier.arrive $0xFFFF  }
0x61: {  	_ =	shalt  }

</sc_bundles>
